<compile_context>
chip_gen: v7x
topology: tpu7x:2x2x1
jax: 0.10.2.dev20260603
libtpu: 0.0.44.dev20260713+nightly
codegen_flags: <defaults>
</compile_context>

<pallas_src>
import jax
import jax.numpy as jnp
import numpy as np
from jax import lax
from jax.experimental import pallas as pl
from jax.experimental.pallas import tpu as pltpu
from jax.experimental.pallas import tpu_sc as plsc

_N_VOX = (200, 200, 12)
_VOXEL = np.array([0.5, 0.5, 8.0 / 12.0], dtype=np.float32)
_ORIGIN = np.array([0.0, 0.0, -1.0], dtype=np.float32)

_NCAM, _C, _H, _W = 6, 64, 64, 176
_NX, _NY, _NZ = _N_VOX
_P = _NX * _NY * _NZ
_NROWS = _NCAM * _H * _W
_ZROW = _NROWS
_TBL_ROWS = _NROWS + 8

_NC, _NS = 2, 16
_NW = _NC * _NS
_BPW = _P // _NW
_CHUNK = 120
_NCH = _BPW // _CHUNK
_GRP = 5
_NGRP = _NCH // _GRP

_QB = 19200
_NB = _P // _QB


def _points_zyx():
    zs = jnp.arange(_NZ, dtype=jnp.float32)
    ys = jnp.arange(_NY, dtype=jnp.float32)
    xs = jnp.arange(_NX, dtype=jnp.float32)
    zz, yy, xx = jnp.meshgrid(zs, ys, xs, indexing='ij')
    pts = jnp.stack([xx, yy, zz])
    vs = jnp.asarray(_VOXEL)
    new_origin = (jnp.asarray(_ORIGIN)
                  - jnp.asarray(_N_VOX, dtype=jnp.float32) / 2.0 * vs)
    return pts * vs.reshape(3, 1, 1, 1) + new_origin.reshape(3, 1, 1, 1)


def _sel_body(p_ref, idx_ref):
    s = jnp.full((1, _QB), _ZROW, dtype=jnp.int32)
    for i in range(_NCAM):
        px = p_ref[3 * i:3 * i + 1, :]
        py = p_ref[3 * i + 1:3 * i + 2, :]
        pz = p_ref[3 * i + 2:3 * i + 3, :]
        xi = jnp.round(px / pz).astype(jnp.int32)
        yi = jnp.round(py / pz).astype(jnp.int32)
        valid = ((xi >= 0) & (yi >= 0) & (xi < _W) & (yi < _H)
                 & (pz > 0.0))
        row = (yi * _W + xi) + i * (_H * _W)
        s = jnp.where(valid, row, s)
    idx_ref[...] = s[None]


def _select_rows(p2):
    return pl.pallas_call(
        _sel_body,
        grid=(_NB,),
        in_specs=[pl.BlockSpec((_NCAM * 3, _QB), lambda i: (0, i))],
        out_specs=pl.BlockSpec((1, 1, _QB), lambda i: (i, 0, 0)),
        out_shape=jax.ShapeDtypeStruct((_NB, 1, _QB), jnp.int32),
    )(p2)


def _sc_gather_body(table_hbm, idx_hbm, out_hbm, idx_v, *rest):
    bufs = rest[:_GRP]
    gsems = rest[_GRP:2 * _GRP]
    wsems = rest[2 * _GRP:]
    wid = lax.axis_index("s") * _NC + lax.axis_index("c")
    base = wid * _BPW

    pltpu.sync_copy(idx_hbm.at[wid], idx_v)

    for b in range(_GRP):
        pltpu.async_copy(table_hbm.at[idx_v.at[b]], bufs[b], gsems[b])

    def body(g, carry):
        j0 = g * _GRP
        for b in range(_GRP):
            pltpu.make_async_copy(
                out_hbm.at[pl.ds(0, _CHUNK)], bufs[b], gsems[b]).wait()
            pltpu.async_copy(
                bufs[b], out_hbm.at[pl.ds(base + (j0 + b) * _CHUNK, _CHUNK)],
                wsems[b])
        for b in range(_GRP):
            jj = j0 + b
            pltpu.make_async_copy(
                bufs[b], out_hbm.at[pl.ds(0, _CHUNK)], wsems[b]).wait()

            @pl.when(jj + _GRP < _NCH)
            def _():
                pltpu.async_copy(table_hbm.at[idx_v.at[jj + _GRP]],
                                 bufs[b], gsems[b])
        return carry

    lax.fori_loop(0, _NGRP, body, 0)


def _gather_rows(table, idx3):
    mesh = plsc.VectorSubcoreMesh(core_axis_name="c", subcore_axis_name="s")
    f = pl.kernel(
        _sc_gather_body,
        mesh=mesh,
        compiler_params=pltpu.CompilerParams(use_tc_tiling_on_sc=False),
        out_type=jax.ShapeDtypeStruct((_P, _C), jnp.float32),
        scratch_types=(
            [pltpu.VMEM((_NCH, _CHUNK), jnp.int32)]
            + [pltpu.VMEM((_CHUNK, _C), jnp.float32)] * _GRP
            + [pltpu.SemaphoreType.DMA] * (2 * _GRP)
        ),
    )
    return f(table, idx3)


def _tr_body(in_ref, out_ref):
    out_ref[...] = in_ref[...].T


def _transpose_rows(rows):
    qb = 768
    return pl.pallas_call(
        _tr_body,
        grid=(_P // qb,),
        in_specs=[pl.BlockSpec((qb, _C), lambda i: (i, 0))],
        out_specs=pl.BlockSpec((_C, qb), lambda i: (0, i)),
        out_shape=jax.ShapeDtypeStruct((_C, _P), jnp.float32),
    )(rows)


def kernel(features, lidar2ego, camera2ego, camera_intrinsics, img_aug_matrix,
           stride):
    pts = _points_zyx().reshape(3, _P)
    p = lidar2ego[:3, :3] @ pts + lidar2ego[:3, 3][:, None]
    p = jnp.broadcast_to(p[None], (_NCAM, 3, _P))
    p = p - camera2ego[:, :3, 3][:, :, None]
    p = jnp.linalg.inv(camera2ego[:, :3, :3]) @ p
    intr = camera_intrinsics.at[:, :2, :].set(
        camera_intrinsics[:, :2, :] / stride)
    p = intr @ p
    p = img_aug_matrix[:, :3, :3] @ p + img_aug_matrix[:, :3, 3][:, :, None]

    table = jnp.transpose(features, (0, 2, 3, 1)).reshape(_NROWS, _C)
    table = jnp.concatenate(
        [table, jnp.zeros((_TBL_ROWS - _NROWS, _C), jnp.float32)], axis=0)

    idx = _select_rows(p.reshape(_NCAM * 3, _P))
    idx3 = idx.reshape(_NW, _NCH, _CHUNK)
    rows = _gather_rows(table, idx3)
    out2 = _transpose_rows(rows)
    return out2.reshape(1, _C * _NZ, _NY, _NX)

# --- scband reference (transcript-rebuilt; emitter-appended) ---
"""Pipeline reference for scband-fast-bev-87445534146721 (READ-ONLY COPY).

The authoritative reference and input builder live on the scoring server;
editing this copy changes nothing except your own understanding.
"""

import jax, jax.numpy as jnp
import numpy as np

N_VOX = (200, 200, 12)
VOXEL_SIZE = np.array([0.5, 0.5, 8.0 / 12.0], dtype=np.float32)
ORIGIN = np.array([0.0, 0.0, -1.0], dtype=np.float32)


def get_points():
    xs = jnp.arange(N_VOX[0], dtype=jnp.float32)
    ys = jnp.arange(N_VOX[1], dtype=jnp.float32)
    zs = jnp.arange(N_VOX[2], dtype=jnp.float32)
    pts = jnp.stack(jnp.meshgrid(xs, ys, zs, indexing='ij'))
    vs = jnp.asarray(VOXEL_SIZE)
    new_origin = jnp.asarray(ORIGIN) - jnp.asarray(N_VOX, dtype=jnp.float32) / 2.0 * vs
    return pts * vs.reshape(3, 1, 1, 1) + new_origin.reshape(3, 1, 1, 1)


def setup_inputs(seed: int = 0) -> dict:
    key = jax.random.key(seed)
    ks = jax.random.split(key, 6)
    features = jax.random.normal(ks[0], (6, 64, 64, 176), dtype=jnp.float32)
    lidar2ego = jnp.eye(4, dtype=jnp.float32) + 0.05 * jax.random.normal(ks[1], (4, 4), dtype=jnp.float32)
    camera2ego = jnp.broadcast_to(jnp.eye(4, dtype=jnp.float32), (6, 4, 4)) + 0.1 * jax.random.normal(ks[2], (6, 4, 4), dtype=jnp.float32)
    base_intr = jnp.array([[1200.0, 0.0, 880.0], [0.0, 1200.0, 510.0], [0.0, 0.0, 1.0]], dtype=jnp.float32)
    camera_intrinsics = jnp.broadcast_to(base_intr, (6, 3, 3)) + 1.0 * jax.random.normal(ks[3], (6, 3, 3), dtype=jnp.float32)
    img_aug_matrix = jnp.broadcast_to(jnp.eye(4, dtype=jnp.float32), (6, 4, 4)) + 0.01 * jax.random.normal(ks[4], (6, 4, 4), dtype=jnp.float32)
    return {
        'features': features,
        'lidar2ego': lidar2ego,
        'camera2ego': camera2ego,
        'camera_intrinsics': camera_intrinsics,
        'img_aug_matrix': img_aug_matrix,
        'stride': 16,
    }


def backproject_inplace(features, points, lidar2ego, camera2ego, camera_intrinsics, img_aug_matrix, stride):
    n_images, n_channels, height, width = features.shape
    nx, ny, nz = points.shape[-3:]
    P = nx * ny * nz
    pts = points.reshape(3, P)
    p = lidar2ego[:3, :3] @ pts + lidar2ego[:3, 3][:, None]
    p = jnp.broadcast_to(p[None], (n_images, 3, P))
    p = p - camera2ego[:, :3, 3][:, :, None]
    p = jnp.linalg.inv(camera2ego[:, :3, :3]) @ p
    intr = camera_intrinsics.at[:, :2, :].set(camera_intrinsics[:, :2, :] / stride)
    p = intr @ p
    p = img_aug_matrix[:, :3, :3] @ p + img_aug_matrix[:, :3, 3][:, :, None]
    x = jnp.round(p[:, 0] / p[:, 2]).astype(jnp.int32)
    y = jnp.round(p[:, 1] / p[:, 2]).astype(jnp.int32)
    z = p[:, 2]
    valid = (x >= 0) & (y >= 0) & (x < width) & (y < height) & (z > 0)
    volume = jnp.zeros((n_channels, P), dtype=features.dtype)
    for i in range(n_images):
        xi = jnp.clip(x[i], 0, width - 1)
        yi = jnp.clip(y[i], 0, height - 1)
        gathered = features[i][:, yi, xi]
        volume = jnp.where(valid[i][None, :], gathered, volume)
    return volume.reshape(n_channels, nx, ny, nz)


def reference(features, lidar2ego, camera2ego, camera_intrinsics, img_aug_matrix, stride):
    points = get_points()
    volume = backproject_inplace(features, points, lidar2ego, camera2ego, camera_intrinsics, img_aug_matrix, stride)
    vol = volume[None]
    B, C, W, L, H = vol.shape
    x = jnp.transpose(vol, (0, 1, 4, 2, 3)).reshape(B, C * H, W, L)
    x = jnp.transpose(x, (0, 1, 3, 2))
    return x

if __name__ == "__main__":
    import jax
    _d = setup_inputs()
    print(jax.jit(kernel)(*tuple(_d.values())))

</pallas_src>

<mosaic_0001>
#map = affine_map<(d0, d1) -> (0, 0)>
#map1 = affine_map<(d0, d1) -> (0, 0, 0)>
module attributes {stable_mosaic.version = 14 : i64} {
  func.func @_sc_gather_body(%arg0: i32, %arg1: i32, %arg2: memref<67592x64xf32, #tpu.memory_space<hbm>>, %arg3: memref<32x125x120xi32, #tpu.memory_space<hbm>>, %arg4: memref<480000x64xf32, #tpu.memory_space<hbm>>, %arg5: memref<125x120xi32, #tpu.memory_space<vmem>>, %arg6: memref<120x64xf32, #tpu.memory_space<vmem>>, %arg7: memref<120x64xf32, #tpu.memory_space<vmem>>, %arg8: memref<120x64xf32, #tpu.memory_space<vmem>>, %arg9: memref<120x64xf32, #tpu.memory_space<vmem>>, %arg10: memref<120x64xf32, #tpu.memory_space<vmem>>, %arg11: memref<!tpu.dma_semaphore, #tpu.memory_space<semaphore_mem>>, %arg12: memref<!tpu.dma_semaphore, #tpu.memory_space<semaphore_mem>>, %arg13: memref<!tpu.dma_semaphore, #tpu.memory_space<semaphore_mem>>, %arg14: memref<!tpu.dma_semaphore, #tpu.memory_space<semaphore_mem>>, %arg15: memref<!tpu.dma_semaphore, #tpu.memory_space<semaphore_mem>>, %arg16: memref<!tpu.dma_semaphore, #tpu.memory_space<semaphore_mem>>, %arg17: memref<!tpu.dma_semaphore, #tpu.memory_space<semaphore_mem>>, %arg18: memref<!tpu.dma_semaphore, #tpu.memory_space<semaphore_mem>>, %arg19: memref<!tpu.dma_semaphore, #tpu.memory_space<semaphore_mem>>, %arg20: memref<!tpu.dma_semaphore, #tpu.memory_space<semaphore_mem>>) attributes {dimension_semantics = [#tpu.dimension_semantics<core_parallel>, #tpu.dimension_semantics<subcore_parallel>], iteration_bounds = array<i64: 2, 16>, scalar_prefetch = 0 : i64, scratch_operands = 16 : i64, tpu.core_type = #tpu.core_type<sc_vector_subcore>, window_params = [{transform_indices = #map}, {transform_indices = #map1}, {transform_indices = #map}]} {
    %mul3A = arith.constant 2 : i32
    %mul3A_0 = arith.muli %arg1, %mul3A : i32
    %add3A = arith.addi %mul3A_0, %arg0 : i32
    %mul3A_1 = arith.constant 15000 : i32
    %mul3A_2 = arith.muli %add3A, %mul3A_1 : i32
    "tpu.region"() ({
      %run_scoped3A = tpu.sem_alloc : memref<!tpu.dma_semaphore, #tpu.memory_space<semaphore_mem>>
      %dma_start3A_42 = arith.constant 0 : i32
      %dma_start3A_43 = arith.constant 0 : i32
      %dma_start3A_44 = tpu.memref_slice %arg3[%add3A, %dma_start3A_42, %dma_start3A_43] : memref<32x125x120xi32, #tpu.memory_space<hbm>> -> memref<1x125x120xi32, #tpu.memory_space<hbm>>
      %dma_start3A_45 = tpu.memref_squeeze %dma_start3A_44 : memref<1x125x120xi32, #tpu.memory_space<hbm>> -> memref<125x120xi32, #tpu.memory_space<hbm>>
      %dma_start3A_46 = arith.constant 0 : i32
      %dma_start3A_47 = arith.constant 0 : i32
      %dma_start3A_48 = tpu.memref_slice %arg3[%add3A, %dma_start3A_46, %dma_start3A_47] : memref<32x125x120xi32, #tpu.memory_space<hbm>> -> memref<1x125x120xi32, #tpu.memory_space<hbm>>
      %dma_start3A_49 = tpu.memref_squeeze %dma_start3A_48 : memref<1x125x120xi32, #tpu.memory_space<hbm>> -> memref<125x120xi32, #tpu.memory_space<hbm>>
      tpu.enqueue_dma source(%dma_start3A_49 : memref<125x120xi32, #tpu.memory_space<hbm>>) target(%arg5 : memref<125x120xi32, #tpu.memory_space<vmem>>) target_semaphore(%run_scoped3A : memref<!tpu.dma_semaphore, #tpu.memory_space<semaphore_mem>>)
      %dma_wait3A = arith.constant 0 : i32
      %dma_wait3A_50 = arith.constant 0 : i32
      %dma_wait3A_51 = tpu.memref_slice %arg3[%add3A, %dma_wait3A, %dma_wait3A_50] : memref<32x125x120xi32, #tpu.memory_space<hbm>> -> memref<1x125x120xi32, #tpu.memory_space<hbm>>
      %dma_wait3A_52 = tpu.memref_squeeze %dma_wait3A_51 : memref<1x125x120xi32, #tpu.memory_space<hbm>> -> memref<125x120xi32, #tpu.memory_space<hbm>>
      %dma_wait3A_53 = arith.constant 0 : i32
      %dma_wait3A_54 = arith.constant 0 : i32
      %dma_wait3A_55 = tpu.memref_slice %arg3[%add3A, %dma_wait3A_53, %dma_wait3A_54] : memref<32x125x120xi32, #tpu.memory_space<hbm>> -> memref<1x125x120xi32, #tpu.memory_space<hbm>>
      %dma_wait3A_56 = tpu.memref_squeeze %dma_wait3A_55 : memref<1x125x120xi32, #tpu.memory_space<hbm>> -> memref<125x120xi32, #tpu.memory_space<hbm>>
      tpu.wait_dma2 semaphore(%run_scoped3A : memref<!tpu.dma_semaphore, #tpu.memory_space<semaphore_mem>>) src(%dma_wait3A_56 : memref<125x120xi32, #tpu.memory_space<hbm>>) dst(%arg5 : memref<125x120xi32, #tpu.memory_space<vmem>>)
      tpu.yield
    }) : () -> ()
    %dma_start3A = arith.constant 0 : i32
    %dma_start3A_3 = arith.constant 0 : i32
    %dma_start3A_4 = tpu.memref_slice %arg5[%dma_start3A, %dma_start3A_3] : memref<125x120xi32, #tpu.memory_space<vmem>> -> memref<1x120xi32, #tpu.memory_space<vmem>>
    %dma_start3A_5 = tpu.memref_squeeze %dma_start3A_4 : memref<1x120xi32, #tpu.memory_space<vmem>> -> memref<120xi32, #tpu.memory_space<vmem>>
    %dma_start3A_6 = arith.constant 0 : i32
    %dma_start3A_7 = arith.constant 0 : i32
    %dma_start3A_8 = tpu.memref_slice %arg2[%dma_start3A_6, %dma_start3A_7] : memref<67592x64xf32, #tpu.memory_space<hbm>> -> memref<67592x64xf32, #tpu.memory_space<hbm>>
    tpu.enqueue_indirect_dma source(%dma_start3A_8 : memref<67592x64xf32, #tpu.memory_space<hbm>>) target(%arg6 : memref<120x64xf32, #tpu.memory_space<vmem>>) offsets(%dma_start3A_5 : memref<120xi32, #tpu.memory_space<vmem>>) semaphore(%arg11 : memref<!tpu.dma_semaphore, #tpu.memory_space<semaphore_mem>>)
    %dma_start3A_9 = arith.constant 1 : i32
    %dma_start3A_10 = arith.constant 0 : i32
    %dma_start3A_11 = tpu.memref_slice %arg5[%dma_start3A_9, %dma_start3A_10] : memref<125x120xi32, #tpu.memory_space<vmem>> -> memref<1x120xi32, #tpu.memory_space<vmem>>
    %dma_start3A_12 = tpu.memref_squeeze %dma_start3A_11 : memref<1x120xi32, #tpu.memory_space<vmem>> -> memref<120xi32, #tpu.memory_space<vmem>>
    %dma_start3A_13 = arith.constant 0 : i32
    %dma_start3A_14 = arith.constant 0 : i32
    %dma_start3A_15 = tpu.memref_slice %arg2[%dma_start3A_13, %dma_start3A_14] : memref<67592x64xf32, #tpu.memory_space<hbm>> -> memref<67592x64xf32, #tpu.memory_space<hbm>>
    tpu.enqueue_indirect_dma source(%dma_start3A_15 : memref<67592x64xf32, #tpu.memory_space<hbm>>) target(%arg7 : memref<120x64xf32, #tpu.memory_space<vmem>>) offsets(%dma_start3A_12 : memref<120xi32, #tpu.memory_space<vmem>>) semaphore(%arg12 : memref<!tpu.dma_semaphore, #tpu.memory_space<semaphore_mem>>)
    %dma_start3A_16 = arith.constant 2 : i32
    %dma_start3A_17 = arith.constant 0 : i32
    %dma_start3A_18 = tpu.memref_slice %arg5[%dma_start3A_16, %dma_start3A_17] : memref<125x120xi32, #tpu.memory_space<vmem>> -> memref<1x120xi32, #tpu.memory_space<vmem>>
    %dma_start3A_19 = tpu.memref_squeeze %dma_start3A_18 : memref<1x120xi32, #tpu.memory_space<vmem>> -> memref<120xi32, #tpu.memory_space<vmem>>
    %dma_start3A_20 = arith.constant 0 : i32
    %dma_start3A_21 = arith.constant 0 : i32
    %dma_start3A_22 = tpu.memref_slice %arg2[%dma_start3A_20, %dma_start3A_21] : memref<67592x64xf32, #tpu.memory_space<hbm>> -> memref<67592x64xf32, #tpu.memory_space<hbm>>
    tpu.enqueue_indirect_dma source(%dma_start3A_22 : memref<67592x64xf32, #tpu.memory_space<hbm>>) target(%arg8 : memref<120x64xf32, #tpu.memory_space<vmem>>) offsets(%dma_start3A_19 : memref<120xi32, #tpu.memory_space<vmem>>) semaphore(%arg13 : memref<!tpu.dma_semaphore, #tpu.memory_space<semaphore_mem>>)
    %dma_start3A_23 = arith.constant 3 : i32
    %dma_start3A_24 = arith.constant 0 : i32
    %dma_start3A_25 = tpu.memref_slice %arg5[%dma_start3A_23, %dma_start3A_24] : memref<125x120xi32, #tpu.memory_space<vmem>> -> memref<1x120xi32, #tpu.memory_space<vmem>>
    %dma_start3A_26 = tpu.memref_squeeze %dma_start3A_25 : memref<1x120xi32, #tpu.memory_space<vmem>> -> memref<120xi32, #tpu.memory_space<vmem>>
    %dma_start3A_27 = arith.constant 0 : i32
    %dma_start3A_28 = arith.constant 0 : i32
    %dma_start3A_29 = tpu.memref_slice %arg2[%dma_start3A_27, %dma_start3A_28] : memref<67592x64xf32, #tpu.memory_space<hbm>> -> memref<67592x64xf32, #tpu.memory_space<hbm>>
    tpu.enqueue_indirect_dma source(%dma_start3A_29 : memref<67592x64xf32, #tpu.memory_space<hbm>>) target(%arg9 : memref<120x64xf32, #tpu.memory_space<vmem>>) offsets(%dma_start3A_26 : memref<120xi32, #tpu.memory_space<vmem>>) semaphore(%arg14 : memref<!tpu.dma_semaphore, #tpu.memory_space<semaphore_mem>>)
    %dma_start3A_30 = arith.constant 4 : i32
    %dma_start3A_31 = arith.constant 0 : i32
    %dma_start3A_32 = tpu.memref_slice %arg5[%dma_start3A_30, %dma_start3A_31] : memref<125x120xi32, #tpu.memory_space<vmem>> -> memref<1x120xi32, #tpu.memory_space<vmem>>
    %dma_start3A_33 = tpu.memref_squeeze %dma_start3A_32 : memref<1x120xi32, #tpu.memory_space<vmem>> -> memref<120xi32, #tpu.memory_space<vmem>>
    %dma_start3A_34 = arith.constant 0 : i32
    %dma_start3A_35 = arith.constant 0 : i32
    %dma_start3A_36 = tpu.memref_slice %arg2[%dma_start3A_34, %dma_start3A_35] : memref<67592x64xf32, #tpu.memory_space<hbm>> -> memref<67592x64xf32, #tpu.memory_space<hbm>>
    tpu.enqueue_indirect_dma source(%dma_start3A_36 : memref<67592x64xf32, #tpu.memory_space<hbm>>) target(%arg10 : memref<120x64xf32, #tpu.memory_space<vmem>>) offsets(%dma_start3A_33 : memref<120xi32, #tpu.memory_space<vmem>>) semaphore(%arg15 : memref<!tpu.dma_semaphore, #tpu.memory_space<semaphore_mem>>)
    %scan3A = arith.constant 0 : i32
    %scan3A_37 = arith.constant 0 : i32
    %scan3A_38 = arith.constant 25 : i32
    %scan3A_39 = arith.addi %scan3A_37, %scan3A_38 : i32
    %scan3A_40 = arith.constant 1 : i32
    scf.for %scan3A_42 = %scan3A_37 to %scan3A_39 step %scan3A_40  : i32 {
      %mul3A_43 = arith.constant 5 : i32
      %mul3A_44 = arith.muli %scan3A_42, %mul3A_43 : i32
      %dma_wait3A = arith.constant 0 : i32
      %dma_wait3A_45 = arith.constant 0 : i32
      %dma_wait3A_46 = tpu.memref_slice %arg4[%dma_wait3A, %dma_wait3A_45] : memref<480000x64xf32, #tpu.memory_space<hbm>> -> memref<120x64xf32, #tpu.memory_space<hbm>>
      %dma_wait3A_47 = arith.constant 0 : i32
      %dma_wait3A_48 = arith.constant 0 : i32
      %dma_wait3A_49 = tpu.memref_slice %arg4[%dma_wait3A_47, %dma_wait3A_48] : memref<480000x64xf32, #tpu.memory_space<hbm>> -> memref<120x64xf32, #tpu.memory_space<hbm>>
      tpu.wait_dma2 semaphore(%arg11 : memref<!tpu.dma_semaphore, #tpu.memory_space<semaphore_mem>>) src(%dma_wait3A_49 : memref<120x64xf32, #tpu.memory_space<hbm>>) dst(%arg6 : memref<120x64xf32, #tpu.memory_space<vmem>>)
      %add3A_50 = arith.constant 0 : i32
      %add3A_51 = arith.addi %mul3A_44, %add3A_50 : i32
      %mul3A_52 = arith.constant 120 : i32
      %mul3A_53 = arith.muli %add3A_51, %mul3A_52 : i32
      %add3A_54 = arith.addi %mul3A_2, %mul3A_53 : i32
      %dma_start3A_55 = arith.constant 0 : i32
      %dma_start3A_56 = tpu.memref_slice %arg4[%add3A_54, %dma_start3A_55] : memref<480000x64xf32, #tpu.memory_space<hbm>> -> memref<120x64xf32, #tpu.memory_space<hbm>>
      %dma_start3A_57 = arith.constant 0 : i32
      %dma_start3A_58 = tpu.memref_slice %arg4[%add3A_54, %dma_start3A_57] : memref<480000x64xf32, #tpu.memory_space<hbm>> -> memref<120x64xf32, #tpu.memory_space<hbm>>
      tpu.enqueue_dma source(%arg6 : memref<120x64xf32, #tpu.memory_space<vmem>>) target(%dma_start3A_58 : memref<120x64xf32, #tpu.memory_space<hbm>>) target_semaphore(%arg16 : memref<!tpu.dma_semaphore, #tpu.memory_space<semaphore_mem>>)
      %dma_wait3A_59 = arith.constant 0 : i32
      %dma_wait3A_60 = arith.constant 0 : i32
      %dma_wait3A_61 = tpu.memref_slice %arg4[%dma_wait3A_59, %dma_wait3A_60] : memref<480000x64xf32, #tpu.memory_space<hbm>> -> memref<120x64xf32, #tpu.memory_space<hbm>>
      %dma_wait3A_62 = arith.constant 0 : i32
      %dma_wait3A_63 = arith.constant 0 : i32
      %dma_wait3A_64 = tpu.memref_slice %arg4[%dma_wait3A_62, %dma_wait3A_63] : memref<480000x64xf32, #tpu.memory_space<hbm>> -> memref<120x64xf32, #tpu.memory_space<hbm>>
      tpu.wait_dma2 semaphore(%arg12 : memref<!tpu.dma_semaphore, #tpu.memory_space<semaphore_mem>>) src(%dma_wait3A_64 : memref<120x64xf32, #tpu.memory_space<hbm>>) dst(%arg7 : memref<120x64xf32, #tpu.memory_space<vmem>>)
      %add3A_65 = arith.constant 1 : i32
      %add3A_66 = arith.addi %mul3A_44, %add3A_65 : i32
      %mul3A_67 = arith.constant 120 : i32
      %mul3A_68 = arith.muli %add3A_66, %mul3A_67 : i32
      %add3A_69 = arith.addi %mul3A_2, %mul3A_68 : i32
      %dma_start3A_70 = arith.constant 0 : i32
      %dma_start3A_71 = tpu.memref_slice %arg4[%add3A_69, %dma_start3A_70] : memref<480000x64xf32, #tpu.memory_space<hbm>> -> memref<120x64xf32, #tpu.memory_space<hbm>>
      %dma_start3A_72 = arith.constant 0 : i32
      %dma_start3A_73 = tpu.memref_slice %arg4[%add3A_69, %dma_start3A_72] : memref<480000x64xf32, #tpu.memory_space<hbm>> -> memref<120x64xf32, #tpu.memory_space<hbm>>
      tpu.enqueue_dma source(%arg7 : memref<120x64xf32, #tpu.memory_space<vmem>>) target(%dma_start3A_73 : memref<120x64xf32, #tpu.memory_space<hbm>>) target_semaphore(%arg17 : memref<!tpu.dma_semaphore, #tpu.memory_space<semaphore_mem>>)
      %dma_wait3A_74 = arith.constant 0 : i32
      %dma_wait3A_75 = arith.constant 0 : i32
      %dma_wait3A_76 = tpu.memref_slice %arg4[%dma_wait3A_74, %dma_wait3A_75] : memref<480000x64xf32, #tpu.memory_space<hbm>> -> memref<120x64xf32, #tpu.memory_space<hbm>>
      %dma_wait3A_77 = arith.constant 0 : i32
      %dma_wait3A_78 = arith.constant 0 : i32
      %dma_wait3A_79 = tpu.memref_slice %arg4[%dma_wait3A_77, %dma_wait3A_78] : memref<480000x64xf32, #tpu.memory_space<hbm>> -> memref<120x64xf32, #tpu.memory_space<hbm>>
      tpu.wait_dma2 semaphore(%arg13 : memref<!tpu.dma_semaphore, #tpu.memory_space<semaphore_mem>>) src(%dma_wait3A_79 : memref<120x64xf32, #tpu.memory_space<hbm>>) dst(%arg8 : memref<120x64xf32, #tpu.memory_space<vmem>>)
      %add3A_80 = arith.constant 2 : i32
      %add3A_81 = arith.addi %mul3A_44, %add3A_80 : i32
      %mul3A_82 = arith.constant 120 : i32
      %mul3A_83 = arith.muli %add3A_81, %mul3A_82 : i32
      %add3A_84 = arith.addi %mul3A_2, %mul3A_83 : i32
      %dma_start3A_85 = arith.constant 0 : i32
      %dma_start3A_86 = tpu.memref_slice %arg4[%add3A_84, %dma_start3A_85] : memref<480000x64xf32, #tpu.memory_space<hbm>> -> memref<120x64xf32, #tpu.memory_space<hbm>>
      %dma_start3A_87 = arith.constant 0 : i32
      %dma_start3A_88 = tpu.memref_slice %arg4[%add3A_84, %dma_start3A_87] : memref<480000x64xf32, #tpu.memory_space<hbm>> -> memref<120x64xf32, #tpu.memory_space<hbm>>
      tpu.enqueue_dma source(%arg8 : memref<120x64xf32, #tpu.memory_space<vmem>>) target(%dma_start3A_88 : memref<120x64xf32, #tpu.memory_space<hbm>>) target_semaphore(%arg18 : memref<!tpu.dma_semaphore, #tpu.memory_space<semaphore_mem>>)
      %dma_wait3A_89 = arith.constant 0 : i32
      %dma_wait3A_90 = arith.constant 0 : i32
      %dma_wait3A_91 = tpu.memref_slice %arg4[%dma_wait3A_89, %dma_wait3A_90] : memref<480000x64xf32, #tpu.memory_space<hbm>> -> memref<120x64xf32, #tpu.memory_space<hbm>>
      %dma_wait3A_92 = arith.constant 0 : i32
      %dma_wait3A_93 = arith.constant 0 : i32
      %dma_wait3A_94 = tpu.memref_slice %arg4[%dma_wait3A_92, %dma_wait3A_93] : memref<480000x64xf32, #tpu.memory_space<hbm>> -> memref<120x64xf32, #tpu.memory_space<hbm>>
      tpu.wait_dma2 semaphore(%arg14 : memref<!tpu.dma_semaphore, #tpu.memory_space<semaphore_mem>>) src(%dma_wait3A_94 : memref<120x64xf32, #tpu.memory_space<hbm>>) dst(%arg9 : memref<120x64xf32, #tpu.memory_space<vmem>>)
      %add3A_95 = arith.constant 3 : i32
      %add3A_96 = arith.addi %mul3A_44, %add3A_95 : i32
      %mul3A_97 = arith.constant 120 : i32
      %mul3A_98 = arith.muli %add3A_96, %mul3A_97 : i32
      %add3A_99 = arith.addi %mul3A_2, %mul3A_98 : i32
      %dma_start3A_100 = arith.constant 0 : i32
      %dma_start3A_101 = tpu.memref_slice %arg4[%add3A_99, %dma_start3A_100] : memref<480000x64xf32, #tpu.memory_space<hbm>> -> memref<120x64xf32, #tpu.memory_space<hbm>>
      %dma_start3A_102 = arith.constant 0 : i32
      %dma_start3A_103 = tpu.memref_slice %arg4[%add3A_99, %dma_start3A_102] : memref<480000x64xf32, #tpu.memory_space<hbm>> -> memref<120x64xf32, #tpu.memory_space<hbm>>
      tpu.enqueue_dma source(%arg9 : memref<120x64xf32, #tpu.memory_space<vmem>>) target(%dma_start3A_103 : memref<120x64xf32, #tpu.memory_space<hbm>>) target_semaphore(%arg19 : memref<!tpu.dma_semaphore, #tpu.memory_space<semaphore_mem>>)
      %dma_wait3A_104 = arith.constant 0 : i32
      %dma_wait3A_105 = arith.constant 0 : i32
      %dma_wait3A_106 = tpu.memref_slice %arg4[%dma_wait3A_104, %dma_wait3A_105] : memref<480000x64xf32, #tpu.memory_space<hbm>> -> memref<120x64xf32, #tpu.memory_space<hbm>>
      %dma_wait3A_107 = arith.constant 0 : i32
      %dma_wait3A_108 = arith.constant 0 : i32
      %dma_wait3A_109 = tpu.memref_slice %arg4[%dma_wait3A_107, %dma_wait3A_108] : memref<480000x64xf32, #tpu.memory_space<hbm>> -> memref<120x64xf32, #tpu.memory_space<hbm>>
      tpu.wait_dma2 semaphore(%arg15 : memref<!tpu.dma_semaphore, #tpu.memory_space<semaphore_mem>>) src(%dma_wait3A_109 : memref<120x64xf32, #tpu.memory_space<hbm>>) dst(%arg10 : memref<120x64xf32, #tpu.memory_space<vmem>>)
      %add3A_110 = arith.constant 4 : i32
      %add3A_111 = arith.addi %mul3A_44, %add3A_110 : i32
      %mul3A_112 = arith.constant 120 : i32
      %mul3A_113 = arith.muli %add3A_111, %mul3A_112 : i32
      %add3A_114 = arith.addi %mul3A_2, %mul3A_113 : i32
      %dma_start3A_115 = arith.constant 0 : i32
      %dma_start3A_116 = tpu.memref_slice %arg4[%add3A_114, %dma_start3A_115] : memref<480000x64xf32, #tpu.memory_space<hbm>> -> memref<120x64xf32, #tpu.memory_space<hbm>>
      %dma_start3A_117 = arith.constant 0 : i32
      %dma_start3A_118 = tpu.memref_slice %arg4[%add3A_114, %dma_start3A_117] : memref<480000x64xf32, #tpu.memory_space<hbm>> -> memref<120x64xf32, #tpu.memory_space<hbm>>
      tpu.enqueue_dma source(%arg10 : memref<120x64xf32, #tpu.memory_space<vmem>>) target(%dma_start3A_118 : memref<120x64xf32, #tpu.memory_space<hbm>>) target_semaphore(%arg20 : memref<!tpu.dma_semaphore, #tpu.memory_space<semaphore_mem>>)
      %add3A_119 = arith.constant 0 : i32
      %add3A_120 = arith.addi %mul3A_44, %add3A_119 : i32
      %dma_wait3A_121 = arith.constant 0 : i32
      %dma_wait3A_122 = arith.constant 0 : i32
      %dma_wait3A_123 = tpu.memref_slice %arg4[%dma_wait3A_121, %dma_wait3A_122] : memref<480000x64xf32, #tpu.memory_space<hbm>> -> memref<120x64xf32, #tpu.memory_space<hbm>>
      %dma_wait3A_124 = arith.constant 0 : i32
      %dma_wait3A_125 = arith.constant 0 : i32
      %dma_wait3A_126 = tpu.memref_slice %arg4[%dma_wait3A_124, %dma_wait3A_125] : memref<480000x64xf32, #tpu.memory_space<hbm>> -> memref<120x64xf32, #tpu.memory_space<hbm>>
      tpu.wait_dma2 semaphore(%arg16 : memref<!tpu.dma_semaphore, #tpu.memory_space<semaphore_mem>>) src(%arg6 : memref<120x64xf32, #tpu.memory_space<vmem>>) dst(%dma_wait3A_126 : memref<120x64xf32, #tpu.memory_space<hbm>>)
      %add3A_127 = arith.constant 5 : i32
      %add3A_128 = arith.addi %add3A_120, %add3A_127 : i32
      %lt3A = arith.constant 125 : i32
      %lt3A_129 = arith.cmpi slt, %add3A_128, %lt3A : i32
      %convert_element_type3A = arith.extui %lt3A_129 : i1 to i32
      %cond3A = arith.constant 0 : i32
      %cond3A_130 = arith.cmpi ne, %convert_element_type3A, %cond3A : i32
      scf.if %cond3A_130 {
        %add3A_191 = arith.constant 5 : i32
        %add3A_192 = arith.addi %add3A_120, %add3A_191 : i32
        %dma_start3A_193 = arith.constant 0 : i32
        %dma_start3A_194 = tpu.memref_slice %arg5[%add3A_192, %dma_start3A_193] : memref<125x120xi32, #tpu.memory_space<vmem>> -> memref<1x120xi32, #tpu.memory_space<vmem>>
        %dma_start3A_195 = tpu.memref_squeeze %dma_start3A_194 : memref<1x120xi32, #tpu.memory_space<vmem>> -> memref<120xi32, #tpu.memory_space<vmem>>
        %dma_start3A_196 = arith.constant 0 : i32
        %dma_start3A_197 = arith.constant 0 : i32
        %dma_start3A_198 = tpu.memref_slice %arg2[%dma_start3A_196, %dma_start3A_197] : memref<67592x64xf32, #tpu.memory_space<hbm>> -> memref<67592x64xf32, #tpu.memory_space<hbm>>
        tpu.enqueue_indirect_dma source(%dma_start3A_198 : memref<67592x64xf32, #tpu.memory_space<hbm>>) target(%arg6 : memref<120x64xf32, #tpu.memory_space<vmem>>) offsets(%dma_start3A_195 : memref<120xi32, #tpu.memory_space<vmem>>) semaphore(%arg11 : memref<!tpu.dma_semaphore, #tpu.memory_space<semaphore_mem>>)
      } else {
      }
      %add3A_131 = arith.constant 1 : i32
      %add3A_132 = arith.addi %mul3A_44, %add3A_131 : i32
      %dma_wait3A_133 = arith.constant 0 : i32
      %dma_wait3A_134 = arith.constant 0 : i32
      %dma_wait3A_135 = tpu.memref_slice %arg4[%dma_wait3A_133, %dma_wait3A_134] : memref<480000x64xf32, #tpu.memory_space<hbm>> -> memref<120x64xf32, #tpu.memory_space<hbm>>
      %dma_wait3A_136 = arith.constant 0 : i32
      %dma_wait3A_137 = arith.constant 0 : i32
      %dma_wait3A_138 = tpu.memref_slice %arg4[%dma_wait3A_136, %dma_wait3A_137] : memref<480000x64xf32, #tpu.memory_space<hbm>> -> memref<120x64xf32, #tpu.memory_space<hbm>>
      tpu.wait_dma2 semaphore(%arg17 : memref<!tpu.dma_semaphore, #tpu.memory_space<semaphore_mem>>) src(%arg7 : memref<120x64xf32, #tpu.memory_space<vmem>>) dst(%dma_wait3A_138 : memref<120x64xf32, #tpu.memory_space<hbm>>)
      %add3A_139 = arith.constant 5 : i32
      %add3A_140 = arith.addi %add3A_132, %add3A_139 : i32
      %lt3A_141 = arith.constant 125 : i32
      %lt3A_142 = arith.cmpi slt, %add3A_140, %lt3A_141 : i32
      %convert_element_type3A_143 = arith.extui %lt3A_142 : i1 to i32
      %cond3A_144 = arith.constant 0 : i32
      %cond3A_145 = arith.cmpi ne, %convert_element_type3A_143, %cond3A_144 : i32
      scf.if %cond3A_145 {
        %add3A_191 = arith.constant 5 : i32
        %add3A_192 = arith.addi %add3A_132, %add3A_191 : i32
        %dma_start3A_193 = arith.constant 0 : i32
        %dma_start3A_194 = tpu.memref_slice %arg5[%add3A_192, %dma_start3A_193] : memref<125x120xi32, #tpu.memory_space<vmem>> -> memref<1x120xi32, #tpu.memory_space<vmem>>
        %dma_start3A_195 = tpu.memref_squeeze %dma_start3A_194 : memref<1x120xi32, #tpu.memory_space<vmem>> -> memref<120xi32, #tpu.memory_space<vmem>>
        %dma_start3A_196 = arith.constant 0 : i32
        %dma_start3A_197 = arith.constant 0 : i32
        %dma_start3A_198 = tpu.memref_slice %arg2[%dma_start3A_196, %dma_start3A_197] : memref<67592x64xf32, #tpu.memory_space<hbm>> -> memref<67592x64xf32, #tpu.memory_space<hbm>>
        tpu.enqueue_indirect_dma source(%dma_start3A_198 : memref<67592x64xf32, #tpu.memory_space<hbm>>) target(%arg7 : memref<120x64xf32, #tpu.memory_space<vmem>>) offsets(%dma_start3A_195 : memref<120xi32, #tpu.memory_space<vmem>>) semaphore(%arg12 : memref<!tpu.dma_semaphore, #tpu.memory_space<semaphore_mem>>)
      } else {
      }
      %add3A_146 = arith.constant 2 : i32
      %add3A_147 = arith.addi %mul3A_44, %add3A_146 : i32
      %dma_wait3A_148 = arith.constant 0 : i32
      %dma_wait3A_149 = arith.constant 0 : i32
      %dma_wait3A_150 = tpu.memref_slice %arg4[%dma_wait3A_148, %dma_wait3A_149] : memref<480000x64xf32, #tpu.memory_space<hbm>> -> memref<120x64xf32, #tpu.memory_space<hbm>>
      %dma_wait3A_151 = arith.constant 0 : i32
      %dma_wait3A_152 = arith.constant 0 : i32
      %dma_wait3A_153 = tpu.memref_slice %arg4[%dma_wait3A_151, %dma_wait3A_152] : memref<480000x64xf32, #tpu.memory_space<hbm>> -> memref<120x64xf32, #tpu.memory_space<hbm>>
      tpu.wait_dma2 semaphore(%arg18 : memref<!tpu.dma_semaphore, #tpu.memory_space<semaphore_mem>>) src(%arg8 : memref<120x64xf32, #tpu.memory_space<vmem>>) dst(%dma_wait3A_153 : memref<120x64xf32, #tpu.memory_space<hbm>>)
      %add3A_154 = arith.constant 5 : i32
      %add3A_155 = arith.addi %add3A_147, %add3A_154 : i32
      %lt3A_156 = arith.constant 125 : i32
      %lt3A_157 = arith.cmpi slt, %add3A_155, %lt3A_156 : i32
      %convert_element_type3A_158 = arith.extui %lt3A_157 : i1 to i32
      %cond3A_159 = arith.constant 0 : i32
      %cond3A_160 = arith.cmpi ne, %convert_element_type3A_158, %cond3A_159 : i32
      scf.if %cond3A_160 {
        %add3A_191 = arith.constant 5 : i32
        %add3A_192 = arith.addi %add3A_147, %add3A_191 : i32
        %dma_start3A_193 = arith.constant 0 : i32
        %dma_start3A_194 = tpu.memref_slice %arg5[%add3A_192, %dma_start3A_193] : memref<125x120xi32, #tpu.memory_space<vmem>> -> memref<1x120xi32, #tpu.memory_space<vmem>>
        %dma_start3A_195 = tpu.memref_squeeze %dma_start3A_194 : memref<1x120xi32, #tpu.memory_space<vmem>> -> memref<120xi32, #tpu.memory_space<vmem>>
        %dma_start3A_196 = arith.constant 0 : i32
        %dma_start3A_197 = arith.constant 0 : i32
        %dma_start3A_198 = tpu.memref_slice %arg2[%dma_start3A_196, %dma_start3A_197] : memref<67592x64xf32, #tpu.memory_space<hbm>> -> memref<67592x64xf32, #tpu.memory_space<hbm>>
        tpu.enqueue_indirect_dma source(%dma_start3A_198 : memref<67592x64xf32, #tpu.memory_space<hbm>>) target(%arg8 : memref<120x64xf32, #tpu.memory_space<vmem>>) offsets(%dma_start3A_195 : memref<120xi32, #tpu.memory_space<vmem>>) semaphore(%arg13 : memref<!tpu.dma_semaphore, #tpu.memory_space<semaphore_mem>>)
      } else {
      }
      %add3A_161 = arith.constant 3 : i32
      %add3A_162 = arith.addi %mul3A_44, %add3A_161 : i32
      %dma_wait3A_163 = arith.constant 0 : i32
      %dma_wait3A_164 = arith.constant 0 : i32
      %dma_wait3A_165 = tpu.memref_slice %arg4[%dma_wait3A_163, %dma_wait3A_164] : memref<480000x64xf32, #tpu.memory_space<hbm>> -> memref<120x64xf32, #tpu.memory_space<hbm>>
      %dma_wait3A_166 = arith.constant 0 : i32
      %dma_wait3A_167 = arith.constant 0 : i32
      %dma_wait3A_168 = tpu.memref_slice %arg4[%dma_wait3A_166, %dma_wait3A_167] : memref<480000x64xf32, #tpu.memory_space<hbm>> -> memref<120x64xf32, #tpu.memory_space<hbm>>
      tpu.wait_dma2 semaphore(%arg19 : memref<!tpu.dma_semaphore, #tpu.memory_space<semaphore_mem>>) src(%arg9 : memref<120x64xf32, #tpu.memory_space<vmem>>) dst(%dma_wait3A_168 : memref<120x64xf32, #tpu.memory_space<hbm>>)
      %add3A_169 = arith.constant 5 : i32
      %add3A_170 = arith.addi %add3A_162, %add3A_169 : i32
      %lt3A_171 = arith.constant 125 : i32
      %lt3A_172 = arith.cmpi slt, %add3A_170, %lt3A_171 : i32
      %convert_element_type3A_173 = arith.extui %lt3A_172 : i1 to i32
      %cond3A_174 = arith.constant 0 : i32
      %cond3A_175 = arith.cmpi ne, %convert_element_type3A_173, %cond3A_174 : i32
      scf.if %cond3A_175 {
        %add3A_191 = arith.constant 5 : i32
        %add3A_192 = arith.addi %add3A_162, %add3A_191 : i32
        %dma_start3A_193 = arith.constant 0 : i32
        %dma_start3A_194 = tpu.memref_slice %arg5[%add3A_192, %dma_start3A_193] : memref<125x120xi32, #tpu.memory_space<vmem>> -> memref<1x120xi32, #tpu.memory_space<vmem>>
        %dma_start3A_195 = tpu.memref_squeeze %dma_start3A_194 : memref<1x120xi32, #tpu.memory_space<vmem>> -> memref<120xi32, #tpu.memory_space<vmem>>
        %dma_start3A_196 = arith.constant 0 : i32
        %dma_start3A_197 = arith.constant 0 : i32
        %dma_start3A_198 = tpu.memref_slice %arg2[%dma_start3A_196, %dma_start3A_197] : memref<67592x64xf32, #tpu.memory_space<hbm>> -> memref<67592x64xf32, #tpu.memory_space<hbm>>
        tpu.enqueue_indirect_dma source(%dma_start3A_198 : memref<67592x64xf32, #tpu.memory_space<hbm>>) target(%arg9 : memref<120x64xf32, #tpu.memory_space<vmem>>) offsets(%dma_start3A_195 : memref<120xi32, #tpu.memory_space<vmem>>) semaphore(%arg14 : memref<!tpu.dma_semaphore, #tpu.memory_space<semaphore_mem>>)
      } else {
      }
      %add3A_176 = arith.constant 4 : i32
      %add3A_177 = arith.addi %mul3A_44, %add3A_176 : i32
      %dma_wait3A_178 = arith.constant 0 : i32
      %dma_wait3A_179 = arith.constant 0 : i32
      %dma_wait3A_180 = tpu.memref_slice %arg4[%dma_wait3A_178, %dma_wait3A_179] : memref<480000x64xf32, #tpu.memory_space<hbm>> -> memref<120x64xf32, #tpu.memory_space<hbm>>
      %dma_wait3A_181 = arith.constant 0 : i32
      %dma_wait3A_182 = arith.constant 0 : i32
      %dma_wait3A_183 = tpu.memref_slice %arg4[%dma_wait3A_181, %dma_wait3A_182] : memref<480000x64xf32, #tpu.memory_space<hbm>> -> memref<120x64xf32, #tpu.memory_space<hbm>>
      tpu.wait_dma2 semaphore(%arg20 : memref<!tpu.dma_semaphore, #tpu.memory_space<semaphore_mem>>) src(%arg10 : memref<120x64xf32, #tpu.memory_space<vmem>>) dst(%dma_wait3A_183 : memref<120x64xf32, #tpu.memory_space<hbm>>)
      %add3A_184 = arith.constant 5 : i32
      %add3A_185 = arith.addi %add3A_177, %add3A_184 : i32
      %lt3A_186 = arith.constant 125 : i32
      %lt3A_187 = arith.cmpi slt, %add3A_185, %lt3A_186 : i32
      %convert_element_type3A_188 = arith.extui %lt3A_187 : i1 to i32
      %cond3A_189 = arith.constant 0 : i32
      %cond3A_190 = arith.cmpi ne, %convert_element_type3A_188, %cond3A_189 : i32
      scf.if %cond3A_190 {
        %add3A_191 = arith.constant 5 : i32
        %add3A_192 = arith.addi %add3A_177, %add3A_191 : i32
        %dma_start3A_193 = arith.constant 0 : i32
        %dma_start3A_194 = tpu.memref_slice %arg5[%add3A_192, %dma_start3A_193] : memref<125x120xi32, #tpu.memory_space<vmem>> -> memref<1x120xi32, #tpu.memory_space<vmem>>
        %dma_start3A_195 = tpu.memref_squeeze %dma_start3A_194 : memref<1x120xi32, #tpu.memory_space<vmem>> -> memref<120xi32, #tpu.memory_space<vmem>>
        %dma_start3A_196 = arith.constant 0 : i32
        %dma_start3A_197 = arith.constant 0 : i32
        %dma_start3A_198 = tpu.memref_slice %arg2[%dma_start3A_196, %dma_start3A_197] : memref<67592x64xf32, #tpu.memory_space<hbm>> -> memref<67592x64xf32, #tpu.memory_space<hbm>>
        tpu.enqueue_indirect_dma source(%dma_start3A_198 : memref<67592x64xf32, #tpu.memory_space<hbm>>) target(%arg10 : memref<120x64xf32, #tpu.memory_space<vmem>>) offsets(%dma_start3A_195 : memref<120xi32, #tpu.memory_space<vmem>>) semaphore(%arg15 : memref<!tpu.dma_semaphore, #tpu.memory_space<semaphore_mem>>)
      } else {
      }
    }
    %scan3A_41 = arith.constant 25 : i32
    return
  }
}

module attributes {stable_mosaic.version = 14 : i64} {
  func.func @_sel_body(%arg0: i32, %arg1: memref<18x19200xf32, #tpu.memory_space<vmem>>, %arg2: memref<1x1x19200xi32, #tpu.memory_space<vmem>>) attributes {dimension_semantics = [#tpu.dimension_semantics<arbitrary>], iteration_bounds = array<i64: 25>, scalar_prefetch = 0 : i64, scratch_operands = 0 : i64, tpu.core_type = #tpu.core_type<tc>, window_params = [{transform_indices = @transform_0, window_bounds = array<i64: 18, 19200>}, {transform_indices = @transform_1, window_bounds = array<i64: 1, 1, 19200>}]} {
    %broadcast_in_dim3A = arith.constant 67584 : i32
    %broadcast_in_dim3A_0 = vector.broadcast %broadcast_in_dim3A : i32 to vector<1x19200xi32>
    %get3A = arith.constant 0 : index
    %get3A_1 = arith.constant 0 : index
    %get3A_2 = vector.load %arg1[%get3A, %get3A_1] : memref<18x19200xf32, #tpu.memory_space<vmem>>, vector<1x19200xf32>
    %get3A_3 = arith.constant 1 : index
    %get3A_4 = arith.constant 0 : index
    %get3A_5 = vector.load %arg1[%get3A_3, %get3A_4] : memref<18x19200xf32, #tpu.memory_space<vmem>>, vector<1x19200xf32>
    %get3A_6 = arith.constant 2 : index
    %get3A_7 = arith.constant 0 : index
    %get3A_8 = vector.load %arg1[%get3A_6, %get3A_7] : memref<18x19200xf32, #tpu.memory_space<vmem>>, vector<1x19200xf32>
    %div3A = arith.divf %get3A_2, %get3A_8 : vector<1x19200xf32>
    %round3A = math.roundeven %div3A : vector<1x19200xf32>
    %convert_element_type3A = arith.fptosi %round3A : vector<1x19200xf32> to vector<1x19200xi32>
    %div3A_9 = arith.divf %get3A_5, %get3A_8 : vector<1x19200xf32>
    %round3A_10 = math.roundeven %div3A_9 : vector<1x19200xf32>
    %convert_element_type3A_11 = arith.fptosi %round3A_10 : vector<1x19200xf32> to vector<1x19200xi32>
    %ge3A = arith.constant 0 : i32
    %ge3A_12 = vector.broadcast %ge3A : i32 to vector<1x19200xi32>
    %ge3A_13 = arith.cmpi sge, %convert_element_type3A, %ge3A_12 : vector<1x19200xi32>
    %ge3A_14 = arith.constant 0 : i32
    %ge3A_15 = vector.broadcast %ge3A_14 : i32 to vector<1x19200xi32>
    %ge3A_16 = arith.cmpi sge, %convert_element_type3A_11, %ge3A_15 : vector<1x19200xi32>
    %and3A = arith.andi %ge3A_13, %ge3A_16 : vector<1x19200xi1>
    %lt3A = arith.constant 176 : i32
    %lt3A_17 = vector.broadcast %lt3A : i32 to vector<1x19200xi32>
    %lt3A_18 = arith.cmpi slt, %convert_element_type3A, %lt3A_17 : vector<1x19200xi32>
    %and3A_19 = arith.andi %and3A, %lt3A_18 : vector<1x19200xi1>
    %lt3A_20 = arith.constant 64 : i32
    %lt3A_21 = vector.broadcast %lt3A_20 : i32 to vector<1x19200xi32>
    %lt3A_22 = arith.cmpi slt, %convert_element_type3A_11, %lt3A_21 : vector<1x19200xi32>
    %and3A_23 = arith.andi %and3A_19, %lt3A_22 : vector<1x19200xi1>
    %gt3A = arith.constant 0.000000e+00 : f32
    %gt3A_24 = vector.broadcast %gt3A : f32 to vector<1x19200xf32>
    %gt3A_25 = arith.cmpf ogt, %get3A_8, %gt3A_24 : vector<1x19200xf32>
    %and3A_26 = arith.andi %and3A_23, %gt3A_25 : vector<1x19200xi1>
    %mul3A = arith.constant 176 : i32
    %mul3A_27 = vector.broadcast %mul3A : i32 to vector<1x19200xi32>
    %mul3A_28 = arith.muli %convert_element_type3A_11, %mul3A_27 : vector<1x19200xi32>
    %add3A = arith.addi %mul3A_28, %convert_element_type3A : vector<1x19200xi32>
    %add3A_29 = arith.constant 0 : i32
    %add3A_30 = vector.broadcast %add3A_29 : i32 to vector<1x19200xi32>
    %add3A_31 = arith.addi %add3A, %add3A_30 : vector<1x19200xi32>
    %select_n3A = arith.select %and3A_26, %add3A_31, %broadcast_in_dim3A_0 : vector<1x19200xi1>, vector<1x19200xi32>
    %get3A_32 = arith.constant 3 : index
    %get3A_33 = arith.constant 0 : index
    %get3A_34 = vector.load %arg1[%get3A_32, %get3A_33] : memref<18x19200xf32, #tpu.memory_space<vmem>>, vector<1x19200xf32>
    %get3A_35 = arith.constant 4 : index
    %get3A_36 = arith.constant 0 : index
    %get3A_37 = vector.load %arg1[%get3A_35, %get3A_36] : memref<18x19200xf32, #tpu.memory_space<vmem>>, vector<1x19200xf32>
    %get3A_38 = arith.constant 5 : index
    %get3A_39 = arith.constant 0 : index
    %get3A_40 = vector.load %arg1[%get3A_38, %get3A_39] : memref<18x19200xf32, #tpu.memory_space<vmem>>, vector<1x19200xf32>
    %div3A_41 = arith.divf %get3A_34, %get3A_40 : vector<1x19200xf32>
    %round3A_42 = math.roundeven %div3A_41 : vector<1x19200xf32>
    %convert_element_type3A_43 = arith.fptosi %round3A_42 : vector<1x19200xf32> to vector<1x19200xi32>
    %div3A_44 = arith.divf %get3A_37, %get3A_40 : vector<1x19200xf32>
    %round3A_45 = math.roundeven %div3A_44 : vector<1x19200xf32>
    %convert_element_type3A_46 = arith.fptosi %round3A_45 : vector<1x19200xf32> to vector<1x19200xi32>
    %ge3A_47 = arith.constant 0 : i32
    %ge3A_48 = vector.broadcast %ge3A_47 : i32 to vector<1x19200xi32>
    %ge3A_49 = arith.cmpi sge, %convert_element_type3A_43, %ge3A_48 : vector<1x19200xi32>
    %ge3A_50 = arith.constant 0 : i32
    %ge3A_51 = vector.broadcast %ge3A_50 : i32 to vector<1x19200xi32>
    %ge3A_52 = arith.cmpi sge, %convert_element_type3A_46, %ge3A_51 : vector<1x19200xi32>
    %and3A_53 = arith.andi %ge3A_49, %ge3A_52 : vector<1x19200xi1>
    %lt3A_54 = arith.constant 176 : i32
    %lt3A_55 = vector.broadcast %lt3A_54 : i32 to vector<1x19200xi32>
    %lt3A_56 = arith.cmpi slt, %convert_element_type3A_43, %lt3A_55 : vector<1x19200xi32>
    %and3A_57 = arith.andi %and3A_53, %lt3A_56 : vector<1x19200xi1>
    %lt3A_58 = arith.constant 64 : i32
    %lt3A_59 = vector.broadcast %lt3A_58 : i32 to vector<1x19200xi32>
    %lt3A_60 = arith.cmpi slt, %convert_element_type3A_46, %lt3A_59 : vector<1x19200xi32>
    %and3A_61 = arith.andi %and3A_57, %lt3A_60 : vector<1x19200xi1>
    %gt3A_62 = arith.constant 0.000000e+00 : f32
    %gt3A_63 = vector.broadcast %gt3A_62 : f32 to vector<1x19200xf32>
    %gt3A_64 = arith.cmpf ogt, %get3A_40, %gt3A_63 : vector<1x19200xf32>
    %and3A_65 = arith.andi %and3A_61, %gt3A_64 : vector<1x19200xi1>
    %mul3A_66 = arith.constant 176 : i32
    %mul3A_67 = vector.broadcast %mul3A_66 : i32 to vector<1x19200xi32>
    %mul3A_68 = arith.muli %convert_element_type3A_46, %mul3A_67 : vector<1x19200xi32>
    %add3A_69 = arith.addi %mul3A_68, %convert_element_type3A_43 : vector<1x19200xi32>
    %add3A_70 = arith.constant 11264 : i32
    %add3A_71 = vector.broadcast %add3A_70 : i32 to vector<1x19200xi32>
    %add3A_72 = arith.addi %add3A_69, %add3A_71 : vector<1x19200xi32>
    %select_n3A_73 = arith.select %and3A_65, %add3A_72, %select_n3A : vector<1x19200xi1>, vector<1x19200xi32>
    %get3A_74 = arith.constant 6 : index
    %get3A_75 = arith.constant 0 : index
    %get3A_76 = vector.load %arg1[%get3A_74, %get3A_75] : memref<18x19200xf32, #tpu.memory_space<vmem>>, vector<1x19200xf32>
    %get3A_77 = arith.constant 7 : index
    %get3A_78 = arith.constant 0 : index
    %get3A_79 = vector.load %arg1[%get3A_77, %get3A_78] : memref<18x19200xf32, #tpu.memory_space<vmem>>, vector<1x19200xf32>
    %get3A_80 = arith.constant 8 : index
    %get3A_81 = arith.constant 0 : index
    %get3A_82 = vector.load %arg1[%get3A_80, %get3A_81] : memref<18x19200xf32, #tpu.memory_space<vmem>>, vector<1x19200xf32>
    %div3A_83 = arith.divf %get3A_76, %get3A_82 : vector<1x19200xf32>
    %round3A_84 = math.roundeven %div3A_83 : vector<1x19200xf32>
    %convert_element_type3A_85 = arith.fptosi %round3A_84 : vector<1x19200xf32> to vector<1x19200xi32>
    %div3A_86 = arith.divf %get3A_79, %get3A_82 : vector<1x19200xf32>
    %round3A_87 = math.roundeven %div3A_86 : vector<1x19200xf32>
    %convert_element_type3A_88 = arith.fptosi %round3A_87 : vector<1x19200xf32> to vector<1x19200xi32>
    %ge3A_89 = arith.constant 0 : i32
    %ge3A_90 = vector.broadcast %ge3A_89 : i32 to vector<1x19200xi32>
    %ge3A_91 = arith.cmpi sge, %convert_element_type3A_85, %ge3A_90 : vector<1x19200xi32>
    %ge3A_92 = arith.constant 0 : i32
    %ge3A_93 = vector.broadcast %ge3A_92 : i32 to vector<1x19200xi32>
    %ge3A_94 = arith.cmpi sge, %convert_element_type3A_88, %ge3A_93 : vector<1x19200xi32>
    %and3A_95 = arith.andi %ge3A_91, %ge3A_94 : vector<1x19200xi1>
    %lt3A_96 = arith.constant 176 : i32
    %lt3A_97 = vector.broadcast %lt3A_96 : i32 to vector<1x19200xi32>
    %lt3A_98 = arith.cmpi slt, %convert_element_type3A_85, %lt3A_97 : vector<1x19200xi32>
    %and3A_99 = arith.andi %and3A_95, %lt3A_98 : vector<1x19200xi1>
    %lt3A_100 = arith.constant 64 : i32
    %lt3A_101 = vector.broadcast %lt3A_100 : i32 to vector<1x19200xi32>
    %lt3A_102 = arith.cmpi slt, %convert_element_type3A_88, %lt3A_101 : vector<1x19200xi32>
    %and3A_103 = arith.andi %and3A_99, %lt3A_102 : vector<1x19200xi1>
    %gt3A_104 = arith.constant 0.000000e+00 : f32
    %gt3A_105 = vector.broadcast %gt3A_104 : f32 to vector<1x19200xf32>
    %gt3A_106 = arith.cmpf ogt, %get3A_82, %gt3A_105 : vector<1x19200xf32>
    %and3A_107 = arith.andi %and3A_103, %gt3A_106 : vector<1x19200xi1>
    %mul3A_108 = arith.constant 176 : i32
    %mul3A_109 = vector.broadcast %mul3A_108 : i32 to vector<1x19200xi32>
    %mul3A_110 = arith.muli %convert_element_type3A_88, %mul3A_109 : vector<1x19200xi32>
    %add3A_111 = arith.addi %mul3A_110, %convert_element_type3A_85 : vector<1x19200xi32>
    %add3A_112 = arith.constant 22528 : i32
    %add3A_113 = vector.broadcast %add3A_112 : i32 to vector<1x19200xi32>
    %add3A_114 = arith.addi %add3A_111, %add3A_113 : vector<1x19200xi32>
    %select_n3A_115 = arith.select %and3A_107, %add3A_114, %select_n3A_73 : vector<1x19200xi1>, vector<1x19200xi32>
    %get3A_116 = arith.constant 9 : index
    %get3A_117 = arith.constant 0 : index
    %get3A_118 = vector.load %arg1[%get3A_116, %get3A_117] : memref<18x19200xf32, #tpu.memory_space<vmem>>, vector<1x19200xf32>
    %get3A_119 = arith.constant 10 : index
    %get3A_120 = arith.constant 0 : index
    %get3A_121 = vector.load %arg1[%get3A_119, %get3A_120] : memref<18x19200xf32, #tpu.memory_space<vmem>>, vector<1x19200xf32>
    %get3A_122 = arith.constant 11 : index
    %get3A_123 = arith.constant 0 : index
    %get3A_124 = vector.load %arg1[%get3A_122, %get3A_123] : memref<18x19200xf32, #tpu.memory_space<vmem>>, vector<1x19200xf32>
    %div3A_125 = arith.divf %get3A_118, %get3A_124 : vector<1x19200xf32>
    %round3A_126 = math.roundeven %div3A_125 : vector<1x19200xf32>
    %convert_element_type3A_127 = arith.fptosi %round3A_126 : vector<1x19200xf32> to vector<1x19200xi32>
    %div3A_128 = arith.divf %get3A_121, %get3A_124 : vector<1x19200xf32>
    %round3A_129 = math.roundeven %div3A_128 : vector<1x19200xf32>
    %convert_element_type3A_130 = arith.fptosi %round3A_129 : vector<1x19200xf32> to vector<1x19200xi32>
    %ge3A_131 = arith.constant 0 : i32
    %ge3A_132 = vector.broadcast %ge3A_131 : i32 to vector<1x19200xi32>
    %ge3A_133 = arith.cmpi sge, %convert_element_type3A_127, %ge3A_132 : vector<1x19200xi32>
    %ge3A_134 = arith.constant 0 : i32
    %ge3A_135 = vector.broadcast %ge3A_134 : i32 to vector<1x19200xi32>
    %ge3A_136 = arith.cmpi sge, %convert_element_type3A_130, %ge3A_135 : vector<1x19200xi32>
    %and3A_137 = arith.andi %ge3A_133, %ge3A_136 : vector<1x19200xi1>
    %lt3A_138 = arith.constant 176 : i32
    %lt3A_139 = vector.broadcast %lt3A_138 : i32 to vector<1x19200xi32>
    %lt3A_140 = arith.cmpi slt, %convert_element_type3A_127, %lt3A_139 : vector<1x19200xi32>
    %and3A_141 = arith.andi %and3A_137, %lt3A_140 : vector<1x19200xi1>
    %lt3A_142 = arith.constant 64 : i32
    %lt3A_143 = vector.broadcast %lt3A_142 : i32 to vector<1x19200xi32>
    %lt3A_144 = arith.cmpi slt, %convert_element_type3A_130, %lt3A_143 : vector<1x19200xi32>
    %and3A_145 = arith.andi %and3A_141, %lt3A_144 : vector<1x19200xi1>
    %gt3A_146 = arith.constant 0.000000e+00 : f32
    %gt3A_147 = vector.broadcast %gt3A_146 : f32 to vector<1x19200xf32>
    %gt3A_148 = arith.cmpf ogt, %get3A_124, %gt3A_147 : vector<1x19200xf32>
    %and3A_149 = arith.andi %and3A_145, %gt3A_148 : vector<1x19200xi1>
    %mul3A_150 = arith.constant 176 : i32
    %mul3A_151 = vector.broadcast %mul3A_150 : i32 to vector<1x19200xi32>
    %mul3A_152 = arith.muli %convert_element_type3A_130, %mul3A_151 : vector<1x19200xi32>
    %add3A_153 = arith.addi %mul3A_152, %convert_element_type3A_127 : vector<1x19200xi32>
    %add3A_154 = arith.constant 33792 : i32
    %add3A_155 = vector.broadcast %add3A_154 : i32 to vector<1x19200xi32>
    %add3A_156 = arith.addi %add3A_153, %add3A_155 : vector<1x19200xi32>
    %select_n3A_157 = arith.select %and3A_149, %add3A_156, %select_n3A_115 : vector<1x19200xi1>, vector<1x19200xi32>
    %get3A_158 = arith.constant 12 : index
    %get3A_159 = arith.constant 0 : index
    %get3A_160 = vector.load %arg1[%get3A_158, %get3A_159] : memref<18x19200xf32, #tpu.memory_space<vmem>>, vector<1x19200xf32>
    %get3A_161 = arith.constant 13 : index
    %get3A_162 = arith.constant 0 : index
    %get3A_163 = vector.load %arg1[%get3A_161, %get3A_162] : memref<18x19200xf32, #tpu.memory_space<vmem>>, vector<1x19200xf32>
    %get3A_164 = arith.constant 14 : index
    %get3A_165 = arith.constant 0 : index
    %get3A_166 = vector.load %arg1[%get3A_164, %get3A_165] : memref<18x19200xf32, #tpu.memory_space<vmem>>, vector<1x19200xf32>
    %div3A_167 = arith.divf %get3A_160, %get3A_166 : vector<1x19200xf32>
    %round3A_168 = math.roundeven %div3A_167 : vector<1x19200xf32>
    %convert_element_type3A_169 = arith.fptosi %round3A_168 : vector<1x19200xf32> to vector<1x19200xi32>
    %div3A_170 = arith.divf %get3A_163, %get3A_166 : vector<1x19200xf32>
    %round3A_171 = math.roundeven %div3A_170 : vector<1x19200xf32>
    %convert_element_type3A_172 = arith.fptosi %round3A_171 : vector<1x19200xf32> to vector<1x19200xi32>
    %ge3A_173 = arith.constant 0 : i32
    %ge3A_174 = vector.broadcast %ge3A_173 : i32 to vector<1x19200xi32>
    %ge3A_175 = arith.cmpi sge, %convert_element_type3A_169, %ge3A_174 : vector<1x19200xi32>
    %ge3A_176 = arith.constant 0 : i32
    %ge3A_177 = vector.broadcast %ge3A_176 : i32 to vector<1x19200xi32>
    %ge3A_178 = arith.cmpi sge, %convert_element_type3A_172, %ge3A_177 : vector<1x19200xi32>
    %and3A_179 = arith.andi %ge3A_175, %ge3A_178 : vector<1x19200xi1>
    %lt3A_180 = arith.constant 176 : i32
    %lt3A_181 = vector.broadcast %lt3A_180 : i32 to vector<1x19200xi32>
    %lt3A_182 = arith.cmpi slt, %convert_element_type3A_169, %lt3A_181 : vector<1x19200xi32>
    %and3A_183 = arith.andi %and3A_179, %lt3A_182 : vector<1x19200xi1>
    %lt3A_184 = arith.constant 64 : i32
    %lt3A_185 = vector.broadcast %lt3A_184 : i32 to vector<1x19200xi32>
    %lt3A_186 = arith.cmpi slt, %convert_element_type3A_172, %lt3A_185 : vector<1x19200xi32>
    %and3A_187 = arith.andi %and3A_183, %lt3A_186 : vector<1x19200xi1>
    %gt3A_188 = arith.constant 0.000000e+00 : f32
    %gt3A_189 = vector.broadcast %gt3A_188 : f32 to vector<1x19200xf32>
    %gt3A_190 = arith.cmpf ogt, %get3A_166, %gt3A_189 : vector<1x19200xf32>
    %and3A_191 = arith.andi %and3A_187, %gt3A_190 : vector<1x19200xi1>
    %mul3A_192 = arith.constant 176 : i32
    %mul3A_193 = vector.broadcast %mul3A_192 : i32 to vector<1x19200xi32>
    %mul3A_194 = arith.muli %convert_element_type3A_172, %mul3A_193 : vector<1x19200xi32>
    %add3A_195 = arith.addi %mul3A_194, %convert_element_type3A_169 : vector<1x19200xi32>
    %add3A_196 = arith.constant 45056 : i32
    %add3A_197 = vector.broadcast %add3A_196 : i32 to vector<1x19200xi32>
    %add3A_198 = arith.addi %add3A_195, %add3A_197 : vector<1x19200xi32>
    %select_n3A_199 = arith.select %and3A_191, %add3A_198, %select_n3A_157 : vector<1x19200xi1>, vector<1x19200xi32>
    %get3A_200 = arith.constant 15 : index
    %get3A_201 = arith.constant 0 : index
    %get3A_202 = vector.load %arg1[%get3A_200, %get3A_201] : memref<18x19200xf32, #tpu.memory_space<vmem>>, vector<1x19200xf32>
    %get3A_203 = arith.constant 16 : index
    %get3A_204 = arith.constant 0 : index
    %get3A_205 = vector.load %arg1[%get3A_203, %get3A_204] : memref<18x19200xf32, #tpu.memory_space<vmem>>, vector<1x19200xf32>
    %get3A_206 = arith.constant 17 : index
    %get3A_207 = arith.constant 0 : index
    %get3A_208 = vector.load %arg1[%get3A_206, %get3A_207] : memref<18x19200xf32, #tpu.memory_space<vmem>>, vector<1x19200xf32>
    %div3A_209 = arith.divf %get3A_202, %get3A_208 : vector<1x19200xf32>
    %round3A_210 = math.roundeven %div3A_209 : vector<1x19200xf32>
    %convert_element_type3A_211 = arith.fptosi %round3A_210 : vector<1x19200xf32> to vector<1x19200xi32>
    %div3A_212 = arith.divf %get3A_205, %get3A_208 : vector<1x19200xf32>
    %round3A_213 = math.roundeven %div3A_212 : vector<1x19200xf32>
    %convert_element_type3A_214 = arith.fptosi %round3A_213 : vector<1x19200xf32> to vector<1x19200xi32>
    %ge3A_215 = arith.constant 0 : i32
    %ge3A_216 = vector.broadcast %ge3A_215 : i32 to vector<1x19200xi32>
    %ge3A_217 = arith.cmpi sge, %convert_element_type3A_211, %ge3A_216 : vector<1x19200xi32>
    %ge3A_218 = arith.constant 0 : i32
    %ge3A_219 = vector.broadcast %ge3A_218 : i32 to vector<1x19200xi32>
    %ge3A_220 = arith.cmpi sge, %convert_element_type3A_214, %ge3A_219 : vector<1x19200xi32>
    %and3A_221 = arith.andi %ge3A_217, %ge3A_220 : vector<1x19200xi1>
    %lt3A_222 = arith.constant 176 : i32
    %lt3A_223 = vector.broadcast %lt3A_222 : i32 to vector<1x19200xi32>
    %lt3A_224 = arith.cmpi slt, %convert_element_type3A_211, %lt3A_223 : vector<1x19200xi32>
    %and3A_225 = arith.andi %and3A_221, %lt3A_224 : vector<1x19200xi1>
    %lt3A_226 = arith.constant 64 : i32
    %lt3A_227 = vector.broadcast %lt3A_226 : i32 to vector<1x19200xi32>
    %lt3A_228 = arith.cmpi slt, %convert_element_type3A_214, %lt3A_227 : vector<1x19200xi32>
    %and3A_229 = arith.andi %and3A_225, %lt3A_228 : vector<1x19200xi1>
    %gt3A_230 = arith.constant 0.000000e+00 : f32
    %gt3A_231 = vector.broadcast %gt3A_230 : f32 to vector<1x19200xf32>
    %gt3A_232 = arith.cmpf ogt, %get3A_208, %gt3A_231 : vector<1x19200xf32>
    %and3A_233 = arith.andi %and3A_229, %gt3A_232 : vector<1x19200xi1>
    %mul3A_234 = arith.constant 176 : i32
    %mul3A_235 = vector.broadcast %mul3A_234 : i32 to vector<1x19200xi32>
    %mul3A_236 = arith.muli %convert_element_type3A_214, %mul3A_235 : vector<1x19200xi32>
    %add3A_237 = arith.addi %mul3A_236, %convert_element_type3A_211 : vector<1x19200xi32>
    %add3A_238 = arith.constant 56320 : i32
    %add3A_239 = vector.broadcast %add3A_238 : i32 to vector<1x19200xi32>
    %add3A_240 = arith.addi %add3A_237, %add3A_239 : vector<1x19200xi32>
    %select_n3A_241 = arith.select %and3A_233, %add3A_240, %select_n3A_199 : vector<1x19200xi1>, vector<1x19200xi32>
    %broadcast_in_dim3A_242 = vector.shape_cast %select_n3A_241 : vector<1x19200xi32> to vector<1x1x19200xi32>
    %swap3A = arith.constant 0 : index
    %swap3A_243 = arith.constant 0 : index
    %swap3A_244 = arith.constant 0 : index
    %swap3A_245 = vector.load %arg2[%swap3A, %swap3A_243, %swap3A_244] : memref<1x1x19200xi32, #tpu.memory_space<vmem>>, vector<1x1x19200xi32>
    tpu.vector_store %arg2[%swap3A, %swap3A_243, %swap3A_244], %broadcast_in_dim3A_242 {strides = array<i32>} : memref<1x1x19200xi32, #tpu.memory_space<vmem>>, vector<1x1x19200xi32>,
    return
  }
  func.func @transform_0(%arg0: i32) -> (i32, i32) {
    %c0_i32 = arith.constant 0 : i32
    %c0_i32_0 = arith.constant 0 : i32
    return %c0_i32, %arg0 : i32, i32
  }
  func.func @transform_1(%arg0: i32) -> (i32, i32, i32) {
    %c0_i32 = arith.constant 0 : i32
    %c0_i32_0 = arith.constant 0 : i32
    %c0_i32_1 = arith.constant 0 : i32
    return %arg0, %c0_i32, %c0_i32_0 : i32, i32, i32
  }
}

module attributes {stable_mosaic.version = 14 : i64} {
  func.func @_tr_body(%arg0: i32, %arg1: memref<768x64xf32, #tpu.memory_space<vmem>>, %arg2: memref<64x768xf32, #tpu.memory_space<vmem>>) attributes {dimension_semantics = [#tpu.dimension_semantics<arbitrary>], iteration_bounds = array<i64: 625>, scalar_prefetch = 0 : i64, scratch_operands = 0 : i64, tpu.core_type = #tpu.core_type<tc>, window_params = [{transform_indices = @transform_0, window_bounds = array<i64: 768, 64>}, {transform_indices = @transform_1, window_bounds = array<i64: 64, 768>}]} {
    %get3A = arith.constant 0 : index
    %get3A_0 = arith.constant 0 : index
    %get3A_1 = vector.load %arg1[%get3A, %get3A_0] : memref<768x64xf32, #tpu.memory_space<vmem>>, vector<768x64xf32>
    %transpose3A = tpu.transpose %get3A_1, [1, 0] : vector<768x64xf32> -> vector<64x768xf32>
    %swap3A = arith.constant 0 : index
    %swap3A_2 = arith.constant 0 : index
    %swap3A_3 = vector.load %arg2[%swap3A, %swap3A_2] : memref<64x768xf32, #tpu.memory_space<vmem>>, vector<64x768xf32>
    tpu.vector_store %arg2[%swap3A, %swap3A_2], %transpose3A {strides = array<i32>} : memref<64x768xf32, #tpu.memory_space<vmem>>, vector<64x768xf32>,
    return
  }
  func.func @transform_0(%arg0: i32) -> (i32, i32) {
    %c0_i32 = arith.constant 0 : i32
    %c0_i32_0 = arith.constant 0 : i32
    return %arg0, %c0_i32 : i32, i32
  }
  func.func @transform_1(%arg0: i32) -> (i32, i32) {
    %c0_i32 = arith.constant 0 : i32
    %c0_i32_0 = arith.constant 0 : i32
    return %c0_i32, %arg0 : i32, i32
  }
}

</mosaic_0001>

<sc_bundles>
// kernel: kernel.5.cloned.1.call-start
scs
__scs_entry_jumppad:
0x0: {  	(pc) =	sbr.rel $0x88, $3  }
0x1: {  	(tag) =	ssettag $0x0;
	lr =	simm.s32 $0x1  }
0x2: {  	[smem:$0x3F9B] =	sst lr;
	_ =	strace $0xD0000000  }
0x3: {  	_ = 	snop  }
0x4: {  	_ = 	snop  }
0x5: {  	_ = 	snop  }
0x6: {  	_ = 	snop  }
0x7: {  	_ = 	snop  }
__scs_overlays_trampoline_lowered:
0x8: {  	[smem:$0x3FAA] =	sst s0  }
0x9: {  	[smem:$0x3FAB] =	sst s1  }
0xa: {  	[smem:$0x3FAC] =	sst s2  }
0xb: {  	[smem:$0x3FAD] =	sst s3  }
0xc: {  	[smem:$0x3FAE] =	sst s4  }
0xd: {  	[smem:$0x3FAF] =	sst s5  }
0xe: {  	[smem:$0x3FB0] =	sst s6  }
0xf: {  	[smem:$0x3FB1] =	sst s7  }
0x10: {  	[smem:$0x3FB2] =	sst s8  }
0x11: {  	[smem:$0x3FB3] =	sst s9;
	s0 =	simm.s32 @!p0 $0x0  }
0x12: {  	s1 =	sld [smem:$0x3F99];
	s0 =	simm.s32 @p0 $0x1  }
0x13: {  	[smem:$0x3FB4] =	sst s0;
	s0 =	simm.s32 @!p1 $0x0  }
0x14: {  	s2 =	sld [smem:$0x3F98];
	s0 =	simm.s32 @p1 $0x1  }
0x15: {  	[smem:$0x3FB5] =	sst s0;
	s0 =	simm.s32 @!p2 $0x0  }
0x16: {  	s3 =	sld [smem:$0x3FDB];
	s0 =	simm.s32 @p2 $0x1  }
0x17: {  	s4 =	simm.s32 $0x1BF5;
	[smem:$0x3FB7] =	sst s0  }
0x18: {  	s0 =	sld [smem:$0x3F9A];
	_ =	swait.ge [sflag:s4], $0x0  }
0x19: {  	s7 =	sld [smem:$0x3F9B]  }
0x1a: {  	s8 =	sadd.s32 $0xFFFFE003, lr  }
0x1b: {  	s9 =	sadd.s32 $0xFFFFFEF7, lr;
	s5 =	simm.s32 $0xFFFFFFFF;
	p2 =	slt.u32 s8, $0xFFFFF086  }
0x1c: {  	p1 =	slt.u32 s9, $0xF7A;
	s5 =	simm.s32 @!p2 $0x0  }
0x1d: {  	s5 =	simm.s32 @p1 $0x1;
	p0 =	seq.s32 s7, s2  }
0x1e: {  	s7 =	smul.u32 @!p0 $0xF7A, s2;
	p2 =	seq.s32 @!p0 s5, $0x0  }
0x1f: {  	s9 =	smul.u32 $0xF7A, s1;
	s8 =	simm.s32 @!p0 $0x1BF5;
	p2 =	por !p2, p0  }
0x20: {  	[sflag:s8] =	ssyncset.s32 @!p0 $0xFFFFF086;
	s6 =	sadd.s32 @!p0 s3, s7;
	s7 =	simm.s32 @!p0 $0x108  }
0x21: {  	s3 =	sadd.s32 s3, s9;
	s6 =	sadd.s32 @!p0 $0x88, s6;
	s7 =	simm.s32 @p2 $0x1082  }
0x22: {  	[simem:s7], [sflag:s8] =	dma.local @!p0 [hbm:s6], $0xF7A  }
0x23: {  	s9 =	sor.u32 $0xD0000000, s2;
	s6 =	simm.s32 $0x108;
	_ =	swait.ge @!p0 [sflag:s8], $0x0  }
0x24: {  	s3 =	sadd.s32 $0x88, s3;
	s6 =	simm.s32 @!p1 $0x1082;
	[sflag:s4] =	ssyncset.s32 $0xFFFFF086  }
0x25: {  	[simem:s6], [sflag:s4] =	dma.local [hbm:s3], $0xF7A  }
0x26: {  	[smem:$0x3F9B] =	sst s1;
	(tag) =	ssettag s2;
	_ =	strace s9  }
0x27: {  	s1 =	sld [smem:$0x3FAB]  }
0x28: {  	s2 =	sld [smem:$0x3FAC]  }
0x29: {  	s4 =	sld [smem:$0x3FAE]  }
0x2a: {  	p0 =	seq.s32 s5, $0x0;
	s5 =	sld [smem:$0x3FAF]  }
0x2b: {  	s6 =	sld [smem:$0x3FB0]  }
0x2c: {  	s7 =	sld [smem:$0x3FB1]  }
0x2d: {  	s3 =	simm.s32 $0x108;
	s8 =	sld [smem:$0x3FB2]  }
0x2e: {  	s3 =	simm.s32 @!p0 $0x1082;
	s9 =	sld [smem:$0x3FB3]  }
0x2f: {  	lr =	sadd.s32 s0, s3;
	s0 =	sld [smem:$0x3FAA]  }
0x30: {  	s3 =	sld [smem:$0x3FAD]  }
0x31: {  	[smem:$0x3FB6] =	sst s10  }
0x32: {  	s10 =	sld [smem:$0x3FB4];
	_ =	sdelay $0x3  }
0x33: {  	p0 =	seq.s32 s10, $0x1;
	s10 =	sld [smem:$0x3FB6];
	_ =	sdelay $0x3  }
0x34: {  	[smem:$0x3FB6] =	sst s10  }
0x35: {  	s10 =	sld [smem:$0x3FB5];
	_ =	sdelay $0x3  }
0x36: {  	p1 =	seq.s32 s10, $0x1;
	s10 =	sld [smem:$0x3FB6];
	_ =	sdelay $0x3  }
0x37: {  	[smem:$0x3FB6] =	sst s10  }
0x38: {  	s10 =	sld [smem:$0x3FB7]  }
0x39: {  	_ = 	snop;
	(pc) =	sbr.ind lr, $3  }
0x3a: {  	_ = 	snop  }
0x3b: {  	_ = 	snop  }
0x3c: {  	p2 =	seq.s32 s10, $0x1;
	s10 =	sld [smem:$0x3FB6]  }
0x3d: {  	_ =	shalt  }
0x3e: {  	_ =	shalt  }
0x3f: {  	_ =	shalt  }
0x40: {  	_ =	shalt  }
0x41: {  	_ =	shalt  }
0x42: {  	_ =	shalt  }
0x43: {  	_ =	shalt  }
0x44: {  	_ =	shalt  }
0x45: {  	_ =	shalt  }
0x46: {  	_ =	shalt  }
0x47: {  	_ =	shalt  }
0x48: {  	_ =	shalt  }
0x49: {  	_ =	shalt  }
0x4a: {  	_ =	shalt  }
0x4b: {  	_ =	shalt  }
0x4c: {  	_ =	shalt  }
0x4d: {  	_ =	shalt  }
0x4e: {  	_ =	shalt  }
0x4f: {  	_ =	shalt  }
0x50: {  	_ =	shalt  }
0x51: {  	_ =	shalt  }
0x52: {  	_ =	shalt  }
0x53: {  	_ =	shalt  }
0x54: {  	_ =	shalt  }
0x55: {  	_ =	shalt  }
0x56: {  	_ =	shalt  }
0x57: {  	_ =	shalt  }
0x58: {  	_ =	shalt  }
0x59: {  	_ =	shalt  }
0x5a: {  	_ =	shalt  }
0x5b: {  	_ =	shalt  }
0x5c: {  	_ =	shalt  }
0x5d: {  	_ =	shalt  }
0x5e: {  	_ =	shalt  }
0x5f: {  	_ =	shalt  }
0x60: {  	_ =	shalt  }
0x61: {  	_ =	shalt  }
0x62: {  	_ =	shalt  }
0x63: {  	_ =	shalt  }
0x64: {  	_ =	shalt  }
0x65: {  	_ =	shalt  }
0x66: {  	_ =	shalt  }
0x67: {  	_ =	shalt  }
0x68: {  	_ =	shalt  }
0x69: {  	_ =	shalt  }
0x6a: {  	_ =	shalt  }
0x6b: {  	_ =	shalt  }
0x6c: {  	_ =	shalt  }
0x6d: {  	_ =	shalt  }
0x6e: {  	_ =	shalt  }
0x6f: {  	_ =	shalt  }
0x70: {  	_ =	shalt  }
0x71: {  	_ =	shalt  }
0x72: {  	_ =	shalt  }
0x73: {  	_ =	shalt  }
0x74: {  	_ =	shalt  }
0x75: {  	_ =	shalt  }
0x76: {  	_ =	shalt  }
0x77: {  	_ =	shalt  }
0x78: {  	_ =	shalt  }
0x79: {  	_ =	shalt  }
0x7a: {  	_ =	shalt  }
0x7b: {  	_ =	shalt  }
0x7c: {  	_ =	shalt  }
0x7d: {  	_ =	shalt  }
0x7e: {  	_ =	shalt  }
0x7f: {  	_ =	shalt  }
0x80: {  	_ =	shalt  }
0x81: {  	_ =	shalt  }
0x82: {  	_ =	shalt  }
0x83: {  	_ =	shalt  }
0x84: {  	_ =	shalt  }
0x85: {  	_ =	shalt  }
0x86: {  	_ =	shalt  }
0x87: {  	_ =	shalt  }
.Lfunc_end0:
.L_simem_size_0:
called_computation.1_lowered:
.L_overlay_start_0:
0x88: {  	s2 =	sld [smem:$0x3FD9]  }
0x89: {  	s3 =	sld [smem:$0x3FFE];
	_ =	sdelay $0x1  }
0x8a: {  	s1 =	srdreg.scid  }
0x8b: {  	s0 =	sand.u32 $0x1, s1  }
0x8c: {  	s17 =	sshll.u32 s0, $0xA;
	s2 =	sadd.s32 s3, s2  }
0x8d: {  	s2 =	sadd.s32 s2, s17  }
0x8e: {  	[smem:$0x3FC2] =	sst s2  }
0x8f: {  	_ = 	snop  }
0x90: {  	s2 =	sld [smem:$0x3FD0];
	(tm) =	ssettm $0x1  }
0x91: {  	s18 =	sld [smem:$0x3FFB];
	_ =	sdelay $0x3  }
0x92: {  	_ =	strace s18  }
0x93: {  	s3 =	sld [smem:$0x3FFC];
	_ =	sdelay $0x3  }
0x94: {  	_ =	strace s3  }
0x95: {  	s3 =	sld [smem:$0x3FFD];
	_ =	sdelay $0x3  }
0x96: {  	_ =	strace s3  }
0x97: {  	_ =	strace $0x8FFFFFFF  }
0x98: {  	s19 =	sld [smem:$0x3FDB];
	_ =	sdelay $0x1  }
0x99: {  	s4 =	simm.s32 $_scs_section_size  }
0x9a: {  	s5 =	simm.s32 $_size__tile_overlayer_lowered;
	s6 =	simm.s32 $_tile_overlayer_lowered  }
0x9b: {  	s22 =	simm.s32 $0x1BFF;
	s21 =	sshll.u32 s6, $0x1;
	s3 =	sadd.s32 s4, s19  }
0x9c: {  	s7 =	simm.s32 $0x0;
	s20 =	sshll.u32 s5, $0x1;
	s5 =	sadd.s32 s21, s3  }
0x9d: {  	[timem:s7], [sflag:s22] =	dma.local [hbm:s5], s20  }
0x9e: {  	_ =	swait.ge [sflag:s22], s20  }
0x9f: {  	s4 =	ssub.s32 $0x0, s20;
	[sflag:s22] =	ssyncset.done $0x0  }
0xa0: {  	[sflag:s22] =	ssyncadd.s32 s4;
	_ =	sdelay $0x1  }
0xa1: {  	s23 =	simm.s32 $0x1B8B  }
0xa2: {  	_ =	swait.ge [sflag:s23], $0x1  }
0xa3: {  	[sflag:s23] =	ssyncset.done $0x0  }
0xa4: {  	s25 =	simm.s32 $0x1B8E;
	s24 =	sld [smem:$0x3FFE];
	[sflag:s23] =	ssyncadd.s32 $0xFFFFFFFF  }
0xa5: {  	s26 =	simm.s32 $execute0_lowered;
	[smem:$0x3FD2] =	sst s25  }
0xa6: {  	s5 =	sshll.u32 s26, $0x1;
	_ =	strace $0x80000046;
	[dreg:$0x1] =	wrdreg $0xFFFFFFFF  }
0xa7: {  	s28 =	simm.s32 $_size_execute0_lowered;
	s3 =	sadd.s32 s3, s5;
	[dreg:$0x0] =	wrdreg $0x0  }
0xa8: {  	s5 =	sshll.u32 s28, $0x1;
	[dreg:$0x2] =	wrdreg s3  }
0xa9: {  	[dreg:$0x3] =	wrdreg s5  }
0xaa: {  	[dreg:$0x4] =	wrdreg $0xC0  }
0xab: {  	_ =	task [dreg:s7], $0x5FFFF  }
0xac: {  	[dreg:$0x1] =	wrdreg $0xFFFFFFFF  }
0xad: {  	[dreg:$0x0] =	wrdreg $0x60  }
0xae: {  	[dreg:$0x2] =	wrdreg s24  }
0xaf: {  	[dreg:$0x3] =	wrdreg s2  }
0xb0: {  	[dreg:$0x4] =	wrdreg $0x9  }
0xb1: {  	_ =	task.clear_ibuf [dreg:s7], $0x5FFFF;
	_ =	strace $0x90000046  }
0xb2: {  	s29 =	simm.s32 $0x9;
	_ =	strace $0x80000048  }
0xb3: {  	_ =	swait.ge [sflag:s29], $0x1  }
0xb4: {  	[sflag:s29] =	ssyncadd.s32 $0xFFFFFFFF  }
0xb5: {  	_ =	strace $0x90000048  }
0xb6: {  	_ =	sfence  }
0xb7: {  	s30 =	sld [smem:$0x0];
	_ =	sdelay $0x2  }
0xb8: {  	s31 =	sshll.u32 s1, $0xD;
	s1 =	sshrl.u32 s1, $0x2  }
0xb9: {  	s3 =	sand.u32 $0x4000, s31;
	s1 =	sadd.s32 s1, s30  }
0xba: {  	s0 =	sor.u32 s3, s0;
	s1 =	sshll.u32 s1, $0x11  }
0xbb: {  	s0 =	sor.u32 s1, s0  }
0xbc: {  	s0 =	sadd.s32 $0x8F2B, s0  }
0xbd: {  	[sflag:s0] =	ssyncadd.remote.s32 $0x1  }
0xbe: {  	_ =	sfence.sel $0xFFFF  }
0xbf: {  	[dreg:$0x0] =	wrdreg $0xFFFFFFFF;
	(pc) =	sbr.abs _section_cstart, $3  }
0xc0: {  	[dreg:$0x1] =	wrdreg $0xFFFFFFFF  }
0xc1: {  	_ =	task.clear_ibuf [dreg:s7], $0x2FFFF;
	_ =	strace $0x9FFFFFFF  }
0xc2: {  	(tm) =	ssettm $0x7FFFFFFF  }
0xc3: {  	_ =	shalt  }
tec
execute0_lowered:
.L_overlay_start_1:
0x0: {  	(tag) =	ssettag $0x1  }
0x1: {  	s0 =	srdreg.scid;
	s1 =	rddreg [dreg:$0x0]  }
0x2: {  	s10 =	stileid.u32;
	s5 =	rddreg [dreg:$0x1]  }
0x3: {  	s11 =	simm.s32 $0xB;
	s12 =	simm.s32 $0x78;
	s13 =	simm.s32 $0x3A98  }
0x4: {  	s14 =	simm.s32 $0x5898;
	s16 =	simm.s32 $0x7698;
	s18 =	simm.s32 $0x9498  }
0x5: {  	s20 =	simm.s32 $0xB298;
	s21 =	simm.s32 $0x1;
	s28 =	simm.s32 $0x7  }
0x6: {  	s29 =	simm.s32 $0x8;
	s30 =	simm.s32 $0x9;
	s6 =	smul.u32 $0x7530, s10  }
0x7: {  	s0 =	sand.u32 $0x1, s0;
	s2 =	sshll.u32 s10, $0x1;
	s24 =	smul.u32 $0x3A980, s10  }
0x8: {  	s31 =	simm.s32 $0xA;
	s3 =	sor.u32 s0, s2;
	s8 =	smul.u32 $0x3A98, s0  }
0x9: {  	s2 =	simm.s32 $0x0;
	s7 =	ssub.s32 $0x2, s0;
	s4 =	smul.u32 $0x3A98, s3  }
0xa: {  	s0 =	smul.u32 $0x1D4C0, s0;
	[smem:$0x7FF] =	sst s2;
	s9 =	sshrl.u32 s7, $0x1  }
0xb: {  	s3 =	sadd.s32 $0x10E00, s1;
	s22 =	ssub.s32 s7, s9;
	s4 =	sshrl.u32 s4, $0x3  }
0xc: {  	_ =	strace $0x80000047;
	s1 =	sadd.s32 s4, s1;
	s4 =	smax.u32 s22, $0x1  }
0xd: {  	s6 =	sadd.s32 s8, s6;
	s1 =	sadd.s32 $0x2200, s1;
	[dreg:$0x4] =	wrdreg s4  }
0xe: {  	s23 =	sshll.u32 s6, $0x3;
	s22 =	simm.s32 $0x2;
	[dreg:$0x3] =	wrdreg s1  }
.Ltmp0:
0xf: {  	s1 =	sadd.s32 s5, s23;
	s5 =	sadd.s32 s24, s5;
	(pc) =	sbr.rel .LBB2_1-.Ltmp0, $4  }
0x10: {  	s23 =	simm.s32 $0x3;
	s24 =	simm.s32 $0x4;
	s25 =	sadd.s32 $0xF00, s1  }
0x11: {  	s26 =	sadd.s32 $0xB40, s1;
	s17 =	sadd.s32 $0x780, s1;
	s15 =	sadd.s32 $0x3C0, s1  }
0x12: {  	s0 =	sadd.s32 s0, s5;
	s1 =	simm.s32 $0x0;
	[dreg:$0x5] =	wrdreg s25  }
0x13: {  	[dreg:$0x6] =	wrdreg s26;
	s25 =	simm.s32 $0x5;
	s26 =	simm.s32 $0x6  }
.LBB2_4:
0x14: {  	_ =	swait.ge [sflag:s28], $0x1E00  }
0x15: {  	[sflag:s28] =	ssyncset.done $0x0  }
0x16: {  	[sflag:s28] =	ssyncadd.s32 $0xFFFFE200  }
0x17: {  	_ =	swait.ge [sflag:s29], $0x1E00  }
0x18: {  	[sflag:s29] =	ssyncset.done $0x0  }
0x19: {  	[sflag:s29] =	ssyncadd.s32 $0xFFFFE200  }
0x1a: {  	_ =	swait.ge [sflag:s30], $0x1E00  }
0x1b: {  	[sflag:s30] =	ssyncset.done $0x0  }
0x1c: {  	[sflag:s30] =	ssyncadd.s32 $0xFFFFE200  }
0x1d: {  	_ =	swait.ge [sflag:s31], $0x1E00  }
0x1e: {  	s1 =	sadd.s32 $0x1, s1;
	s4 =	rddreg [dreg:$0x4]  }
0x1f: {  	p0 =	sne.s32 s1, s4  }
.Ltmp1:
0x20: {  	_ = 	snop;
	(pc) =	sbr.rel @!p0 .LBB2_5-.Ltmp1, $3  }
0x21: {  	_ =	sdelay $0x1  }
0x22: {  	[sflag:s31] =	ssyncset.done $0x0  }
0x23: {  	[sflag:s31] =	ssyncadd.s32 $0xFFFFE200  }
.LBB2_1:
0x24: {  	s4 =	rddreg [dreg:$0x3]  }
0x25: {  	[tilespmem:s2], [sflag:$0xB] =	stream.linear.gather [hbm4b:s4+s2], $0x3A98, $0x38;
	[tilespmem:$0xD098] =	vst v63  }
0x26: {  	_ =	swait.ge [sflag:s11], $0x3A98  }
0x27: {  	[sflag:s11] =	ssyncset.done $0x0  }
0x28: {  	[sflag:s11] =	ssyncadd.s32 $0xFFFFC568  }
0x29: {  	[tilespmem:s13], [sflag:$0x1] =	stream.indirect.gather [hbm4b:s3+s12], $0x40, s2, s12, $0xb8;
	[tilespmem:$0xD098] =	vst v63  }
0x2a: {  	_ = 	snop  }
0x2b: {  	[tilespmem:s14], [sflag:$0x2] =	stream.indirect.gather [hbm4b:s3+s12], $0x40, s12, s12, $0xb8;
	[tilespmem:$0xD098] =	vst v63  }
0x2c: {  	s9 =	simm.s32 $0xF0;
	s10 =	simm.s32 $0x168;
	s19 =	simm.s32 $0x1E0  }
0x2d: {  	[tilespmem:s16], [sflag:$0x3] =	stream.indirect.gather [hbm4b:s3+s12], $0x40, s9, s12, $0xb8;
	[tilespmem:$0xD098] =	vst v63  }
0x2e: {  	s8 =	smov.u32 s17;
	s5 =	simm.s32 $0x0;
	s7 =	rddreg [dreg:$0x6]  }
0x2f: {  	[tilespmem:s18], [sflag:$0x4] =	stream.indirect.gather [hbm4b:s3+s12], $0x40, s10, s12, $0xb8;
	[tilespmem:$0xD098] =	vst v63  }
0x30: {  	s6 =	rddreg [dreg:$0x5];
	s9 =	smov.u32 s15;
	s10 =	smov.u32 s0  }
0x31: {  	[tilespmem:s20], [sflag:$0x5] =	stream.indirect.gather [hbm4b:s3+s12], $0x40, s19, s12, $0xb8;
	[tilespmem:$0xD098] =	vst v63  }
.LBB2_2:
0x32: {  	_ =	swait.ge [sflag:s21], $0x1E00  }
0x33: {  	[sflag:s21] =	ssyncset.done $0x0  }
0x34: {  	[sflag:s21] =	ssyncadd.s32 $0xFFFFE200  }
0x35: {  	[hbm4b:s10+s2] =	stream.linear.scatter [tilespmem:s13], [sflag:$0x6], $0x1E00, $0x38;
	[tilespmem:$0xD098] =	vst v63  }
0x36: {  	_ =	swait.ge [sflag:s22], $0x1E00  }
0x37: {  	[sflag:s22] =	ssyncset.done $0x0  }
0x38: {  	[sflag:s22] =	ssyncadd.s32 $0xFFFFE200  }
0x39: {  	[hbm4b:s9+s2] =	stream.linear.scatter [tilespmem:s14], [sflag:$0x7], $0x1E00, $0x38;
	[tilespmem:$0xD098] =	vst v63  }
0x3a: {  	_ =	swait.ge [sflag:s23], $0x1E00  }
0x3b: {  	[sflag:s23] =	ssyncset.done $0x0  }
0x3c: {  	[sflag:s23] =	ssyncadd.s32 $0xFFFFE200  }
0x3d: {  	[hbm4b:s8+s2] =	stream.linear.scatter [tilespmem:s16], [sflag:$0x8], $0x1E00, $0x38;
	[tilespmem:$0xD098] =	vst v63  }
0x3e: {  	_ =	swait.ge [sflag:s24], $0x1E00  }
0x3f: {  	[sflag:s24] =	ssyncset.done $0x0  }
0x40: {  	[sflag:s24] =	ssyncadd.s32 $0xFFFFE200  }
0x41: {  	[hbm4b:s7+s2] =	stream.linear.scatter [tilespmem:s18], [sflag:$0x9], $0x1E00, $0x38;
	[tilespmem:$0xD098] =	vst v63  }
0x42: {  	_ =	swait.ge [sflag:s25], $0x1E00  }
0x43: {  	p0 =	seq.s32 s5, $0xE100;
	[sflag:s25] =	ssyncset.done $0x0  }
.Ltmp2:
0x44: {  	[sflag:s25] =	ssyncadd.s32 $0xFFFFE200;
	(pc) =	sbr.rel @p0 .LBB2_4-.Ltmp2, $4  }
0x45: {  	[hbm4b:s6+s2] =	stream.linear.scatter [tilespmem:s20], [sflag:$0xA], $0x1E00, $0x38;
	[tilespmem:$0xD098] =	vst v63  }
0x46: {  	_ =	swait.ge [sflag:s26], $0x1E00  }
0x47: {  	[sflag:s26] =	ssyncset.done $0x0  }
0x48: {  	[sflag:s26] =	ssyncadd.s32 $0xFFFFE200  }
0x49: {  	s4 =	sshra.s32 s5, $0x2  }
0x4a: {  	s19 =	sadd.s32 $0x258, s4  }
0x4b: {  	[tilespmem:s13], [sflag:$0x1] =	stream.indirect.gather [hbm4b:s3+s12], $0x40, s19, s12, $0xb8;
	[tilespmem:$0xD098] =	vst v63  }
0x4c: {  	_ =	swait.ge [sflag:s28], $0x1E00  }
0x4d: {  	[sflag:s28] =	ssyncset.done $0x0  }
0x4e: {  	s19 =	sadd.s32 $0x2D0, s4;
	[sflag:s28] =	ssyncadd.s32 $0xFFFFE200  }
0x4f: {  	[tilespmem:s14], [sflag:$0x2] =	stream.indirect.gather [hbm4b:s3+s12], $0x40, s19, s12, $0xb8;
	[tilespmem:$0xD098] =	vst v63  }
0x50: {  	_ =	swait.ge [sflag:s29], $0x1E00  }
0x51: {  	[sflag:s29] =	ssyncset.done $0x0  }
0x52: {  	s19 =	sadd.s32 $0x348, s4;
	[sflag:s29] =	ssyncadd.s32 $0xFFFFE200  }
0x53: {  	[tilespmem:s16], [sflag:$0x3] =	stream.indirect.gather [hbm4b:s3+s12], $0x40, s19, s12, $0xb8;
	[tilespmem:$0xD098] =	vst v63  }
0x54: {  	_ =	swait.ge [sflag:s30], $0x1E00  }
0x55: {  	[sflag:s30] =	ssyncset.done $0x0  }
0x56: {  	s19 =	sadd.s32 $0x3C0, s4;
	[sflag:s30] =	ssyncadd.s32 $0xFFFFE200  }
0x57: {  	[tilespmem:s18], [sflag:$0x4] =	stream.indirect.gather [hbm4b:s3+s12], $0x40, s19, s12, $0xb8;
	[tilespmem:$0xD098] =	vst v63  }
.Ltmp3:
0x58: {  	s5 =	sadd.s32 $0x960, s5;
	(pc) =	sbr.rel .LBB2_2-.Ltmp3, $4  }
0x59: {  	s6 =	sadd.s32 $0x12C0, s6;
	s7 =	sadd.s32 $0x12C0, s7;
	_ =	swait.ge [sflag:s31], $0x1E00  }
0x5a: {  	s8 =	sadd.s32 $0x12C0, s8;
	s9 =	sadd.s32 $0x12C0, s9;
	[sflag:s31] =	ssyncset.done $0x0  }
0x5b: {  	s10 =	sadd.s32 $0x12C0, s10;
	s4 =	sadd.s32 $0x438, s4;
	[sflag:s31] =	ssyncadd.s32 $0xFFFFE200  }
0x5c: {  	[tilespmem:s20], [sflag:$0x5] =	stream.indirect.gather [hbm4b:s3+s12], $0x40, s4, s12, $0xb8;
	[tilespmem:$0xD098] =	vst v63  }
.LBB2_5:
0x5d: {  	_ =	sfence.sel $0x180000  }
0x5e: {  	[bflag:$0x0] =	sbarrier.arrive $0xFFFF  }
0x5f: {  	_ =	strace $0x90000047  }
0x60: {  	s0 =	stileid.u32;
	[bflag:$0x2] =	sbarrier.arrive $0xFFFF  }
0x61: {  	p0 =	sne.s32 s0, $0x0;
	s0 =	rddreg [dreg:$0x2]  }
0x62: {  	s0 =	sadd.s32 @!p0 $0x100000, s0  }
0x63: {  	[sflag:s0] =	ssyncadd.tile.s32 @!p0 $0x1;
	_ =	shalt  }
.Lfunc_end2:
_tile_overlayer_lowered:
.L_overlay_start_2:
0x64: {  	(tag) =	ssettag $0x2  }
0x65: {  	s0 =	rddreg [dreg:$0x0];
	s2 =	stileid.u32  }
0x66: {  	s1 =	rddreg [dreg:$0x1];
	p0 =	sne.s32 s2, $0x0  }
0x67: {  	s3 =	rddreg [dreg:$0x2];
	[bflag:$0x3] =	sbarrier.arrive $0xFFFF;
	s2 =	simm.s32 @!p0 $0x1C0B  }
0x68: {  	[timem:s3], [sflag:s2] =	dma.local @!p0 [hbm:s0], s1  }
0x69: {  	s0 =	simm.s32 @!p0 $0xB  }
0x6a: {  	_ =	swait.ge @!p0 [sflag:s0], s1  }
0x6b: {  	s1 =	ssub.s32 @!p0 $0x0, s1;
	[sflag:s0] =	ssyncset.done @!p0 $0x0  }
0x6c: {  	[sflag:s0] =	ssyncadd.s32 @!p0 s1  }
0x6d: {  	[bflag:$0x3] =	sbarrier.arrive $0xFFFF  }
0x6e: {  	_ =	shalt  }

// kernel: sparse-core-data-format-call.cloned.1.call-start
scs
called_computation_lowered:
.L_overlay_start_0:
0x0: {  	s2 =	sld [smem:$0x3FD9]  }
0x1: {  	s3 =	sld [smem:$0x3FFE];
	_ =	sdelay $0x1  }
0x2: {  	s1 =	srdreg.scid  }
0x3: {  	s0 =	sand.u32 $0x1, s1  }
0x4: {  	s18 =	sshll.u32 s0, $0xA;
	s2 =	sadd.s32 s3, s2  }
0x5: {  	s2 =	sadd.s32 s2, s18  }
0x6: {  	[smem:$0x3FC2] =	sst s2  }
0x7: {  	_ = 	snop  }
0x8: {  	s2 =	sld [smem:$0x3FD0];
	(tm) =	ssettm $0x1  }
0x9: {  	s19 =	sld [smem:$0x3FFB];
	_ =	sdelay $0x3  }
0xa: {  	_ =	strace s19  }
0xb: {  	s3 =	sld [smem:$0x3FFC];
	_ =	sdelay $0x3  }
0xc: {  	_ =	strace s3  }
0xd: {  	s3 =	sld [smem:$0x3FFD];
	_ =	sdelay $0x3  }
0xe: {  	_ =	strace s3  }
0xf: {  	_ =	strace $0x8FFFFFFF  }
0x10: {  	s20 =	sld [smem:$0x3FDB];
	_ =	sdelay $0x1  }
0x11: {  	s4 =	simm.s32 $_scs_section_size  }
0x12: {  	s5 =	simm.s32 $_size__tile_overlayer_lowered;
	s6 =	simm.s32 $_tile_overlayer_lowered  }
0x13: {  	s23 =	simm.s32 $0x1BFF;
	s22 =	sshll.u32 s6, $0x1;
	s3 =	sadd.s32 s4, s20  }
0x14: {  	s7 =	simm.s32 $0x0;
	s21 =	sshll.u32 s5, $0x1;
	s5 =	sadd.s32 s22, s3  }
0x15: {  	[timem:s7], [sflag:s23] =	dma.local [hbm:s5], s21  }
0x16: {  	_ =	swait.ge [sflag:s23], s21  }
0x17: {  	s4 =	ssub.s32 $0x0, s21;
	[sflag:s23] =	ssyncset.done $0x0  }
0x18: {  	[sflag:s23] =	ssyncadd.s32 s4;
	_ =	sdelay $0x1  }
0x19: {  	s24 =	simm.s32 $0x1B8B  }
0x1a: {  	_ =	swait.ge [sflag:s24], $0x1  }
0x1b: {  	[sflag:s24] =	ssyncset.done $0x0  }
0x1c: {  	s26 =	simm.s32 $0x1B8E;
	s25 =	sld [smem:$0x3FFE];
	[sflag:s24] =	ssyncadd.s32 $0xFFFFFFFF  }
0x1d: {  	s27 =	simm.s32 $execute0_lowered;
	[smem:$0x3FD2] =	sst s26  }
0x1e: {  	s5 =	sshll.u32 s27, $0x1;
	_ =	strace $0x80000049;
	[dreg:$0x1] =	wrdreg $0xFFFFFFFF  }
0x1f: {  	s28 =	simm.s32 $_size_execute0_lowered;
	s3 =	sadd.s32 s3, s5;
	[dreg:$0x0] =	wrdreg $0x0  }
0x20: {  	s5 =	sshll.u32 s28, $0x1;
	[dreg:$0x2] =	wrdreg s3  }
0x21: {  	[dreg:$0x3] =	wrdreg s5  }
0x22: {  	[dreg:$0x4] =	wrdreg $0xC0  }
0x23: {  	_ =	task [dreg:s7], $0x5FFFF  }
0x24: {  	[dreg:$0x1] =	wrdreg $0xFFFFFFFF  }
0x25: {  	[dreg:$0x0] =	wrdreg $0x60  }
0x26: {  	[dreg:$0x2] =	wrdreg s25  }
0x27: {  	[dreg:$0x3] =	wrdreg s2  }
0x28: {  	[dreg:$0x4] =	wrdreg $0x9  }
0x29: {  	_ =	task.clear_ibuf [dreg:s7], $0x5FFFF;
	_ =	strace $0x90000049  }
0x2a: {  	s29 =	simm.s32 $0x9;
	_ =	strace $0x8000004B  }
0x2b: {  	_ =	swait.ge [sflag:s29], $0x1  }
0x2c: {  	[sflag:s29] =	ssyncadd.s32 $0xFFFFFFFF  }
0x2d: {  	_ =	strace $0x9000004B  }
0x2e: {  	_ =	sfence  }
0x2f: {  	s30 =	sld [smem:$0x0];
	_ =	sdelay $0x2  }
0x30: {  	s31 =	sshll.u32 s1, $0xD;
	s1 =	sshrl.u32 s1, $0x2  }
0x31: {  	s3 =	sand.u32 $0x4000, s31;
	s1 =	sadd.s32 s1, s30  }
0x32: {  	s0 =	sor.u32 s3, s0;
	s1 =	sshll.u32 s1, $0x11  }
0x33: {  	s0 =	sor.u32 s1, s0  }
0x34: {  	s0 =	sadd.s32 $0x8F2B, s0  }
0x35: {  	[sflag:s0] =	ssyncadd.remote.s32 $0x1  }
0x36: {  	_ =	sfence.sel $0xFFFF  }
0x37: {  	[dreg:$0x0] =	wrdreg $0xFFFFFFFF;
	(pc) =	sbr.abs _section_cstart, $3  }
0x38: {  	[dreg:$0x1] =	wrdreg $0xFFFFFFFF  }
0x39: {  	_ =	task.clear_ibuf [dreg:s7], $0x2FFFF;
	_ =	strace $0x9FFFFFFF  }
0x3a: {  	(tm) =	ssettm $0x7FFFFFFF  }
0x3b: {  	_ =	shalt  }
tec
execute0_lowered:
.L_overlay_start_1:
0x0: {  	(tag) =	ssettag $0x1  }
0x1: {  	s6 =	rddreg [dreg:$0x0]  }
0x2: {  	s2 =	rddreg [dreg:$0x1]  }
0x3: {  	s0 =	rddreg [dreg:$0x2]  }
0x4: {  	s1 =	stileid.u32;
	s3 =	srdreg.scid;
	_ =	strace $0x8000004A  }
0x5: {  	s4 =	simm.s32 $0x1;
	s7 =	simm.s32 $0x2;
	s16 =	simm.s32 $0x0  }
0x6: {  	p0 =	por $0x0, $0x0;
	s9 =	simm.s32 $0x1800;
	s17 =	simm.s32 $0x0  }
0x7: {  	s18 =	simm.s32 $0x0;
	s10 =	simm.s32 $0x0;
	s11 =	simm.s32 $0x0  }
.Ltmp0:
0x8: {  	s12 =	simm.s32 $0x0;
	s5 =	ssub.s32 $0xD7, s1;
	(pc) =	sbr.rel .LBB1_1-.Ltmp0, $4  }
0x9: {  	s13 =	stileid.u32;
	s14 =	simm.s32 $0x0;
	s5 =	sshrl.u32 s5, $0x4  }
0xa: {  	s15 =	simm.s32 $0x0;
	s3 =	sshll.u32 s3, $0x7;
	s5 =	smul.u32 $0x6, s5  }
0xb: {  	[sflag:s4] =	ssyncpa.u1 $0x0;
	s6 =	sadd.s32 $0x2200, s6;
	s3 =	sand.u32 $0x80, s3  }
0xc: {  	[sflag:s7] =	ssyncpa.u1 $0x0;
	s7 =	sshll.u32 s3, $0x3;
	s8 =	sor.u32 $0x1, s5  }
.LBB1_4:
0xd: {  	s24 =	sshrl.u32 s10, $0x3;
	s25 =	sshll.u32 s12, $0x3;
	s30 =	sand.u32 $0x7F, s12  }
0xe: {  	s23 =	sshra.s32 s23, $0x2;
	p1 =	sgt.s32 s12, $0x280;
	s27 =	smov.u32 s12  }
0xf: {  	s28 =	sshra.s32 s12, $0x1F;
	p2 =	sgt.s32 s11, $0xC7;
	s29 =	smov.u32 s11  }
0x10: {  	s24 =	smul.u32 $0x1800, s24;
	s25 =	sand.u32 $0xFFFFFC00, s25;
	s22 =	sadd.s32 s23, s22  }
0x11: {  	s27 =	simm.s32 @!p1 $0x280;
	s28 =	sand.u32 s28, s12;
	s29 =	simm.s32 @!p2 $0xC7  }
0x12: {  	v5 =	vld [tilespmem:s20+$0xFFFFFFD0];
	p1 =	sgt.s32 s10, $0x48;
	s27 =	ssub.s32 s27, s28;
	s24 =	sadd.s32 s25, s24  }
0x13: {  	[tilespmem:s21+$0x2040 ss:$0x81] =	vst.msk $0xffff, v4;
	v58 =	vld [tilespmem:s20+$0xFFFFFFE0];
	s31 =	sadd.s32 $0xFFFFFD80, s27;
	s26 =	smulhi.u32 $0xAAAAAAAB, s24;
	s24 =	sor.u32 s30, s24  }
0x14: {  	[tilespmem:s21+$0x2850 ss:$0x81] =	vst.msk $0xffff, v3;
	s27 =	ssub.s32 $0x300, s27;
	s30 =	sshra.s32 s11, $0x1F;
	s23 =	smulhi.u32 $0xAAAAAAAB, s24  }
0x15: {  	v59 =	vld [tilespmem:s20+$0xFFFFFFF0];
	[tilespmem:s21+$0x3060 ss:$0x81] =	vst.msk $0xffff, v2;
	p2 =	sgt.s32 s31, $0x7F;
	s28 =	sand.u32 s30, s11;
	s25 =	sshrl.u32 s26, $0x9  }
0x16: {  	[tilespmem:s21+$0x0 ss:$0x81] =	vst.msk $0xffff, v1;
	v60 =	vld [tilespmem:s20+$0x0];
	s30 =	smov.u32 s10;
	s26 =	smulhi.u32 $0x147AE15, s25;
	s23 =	sshrl.u32 s23, $0x9  }
0x17: {  	v61 =	vld [tilespmem:s20+$0x10];
	[tilespmem:s22+$0x3870 ss:$0x81] =	vst.msk $0xffff, v0;
	s27 =	simm.s32 @p2 $0x0;
	s30 =	simm.s32 @!p1 $0x48;
	s23 =	smul.u32 $0x300, s23  }
0x18: {  	v62 =	vld [tilespmem:s20+$0x20];
	[tilespmem:s22+$0x810 ss:$0x81] =	vst.msk $0xffff, v5;
	s21 =	ssub.s32 s29, s28;
	s31 =	ssub.s32 $0xC8, s30;
	s26 =	smul.u32 $0xC8, s26  }
0x19: {  	v63 =	vld [tilespmem:s20+$0xFFFFFFC0];
	[tilespmem:s22+$0x1020 ss:$0x81] =	vst.msk $0xffff, v58;
	s30 =	smul.u32 s31, s27;
	s31 =	sadd.s32 $0xFFFFFF39, s21;
	s21 =	ssub.s32 $0xC8, s21  }
0x1a: {  	[tilespmem:s22+$0x1830 ss:$0x81] =	vst.msk $0xffff, v59;
	s27 =	smul.u32 $0x4B00, s11;
	p1 =	sgt.s32 s31, $0x0;
	s29 =	ssub.s32 s25, s26  }
0x1b: {  	[tilespmem:s22+$0x2040 ss:$0x81] =	vst.msk $0xffff, v60;
	s23 =	ssub.s32 s24, s23;
	s21 =	simm.s32 @p1 $0x0;
	s20 =	smul.u32 $0x60, s29  }
0x1c: {  	[tilespmem:s22+$0x2850 ss:$0x81] =	vst.msk $0xffff, v61;
	s28 =	sadd.s32 s2, s27;
	s21 =	smul.u32 s21, s30;
	s29 =	sand.u32 $0x7, s23  }
0x1d: {  	[tilespmem:s22+$0x3060 ss:$0x81] =	vst.msk $0xffff, v62;
	s23 =	sshrl.u32 s23, $0x3;
	s30 =	sshll.u32 s29, $0x12;
	s20 =	sadd.s32 s20, s28  }
0x1e: {  	[tilespmem:s22+$0x0 ss:$0x81] =	vst.msk $0xffff, v63;
	s21 =	sand.u32 $0x3FFFFFFF, s21;
	s31 =	sor.u32 $0x400, s30;
	s20 =	sadd.s32 s23, s20  }
0x1f: {  	[hbm4b:s20+s31] =	stream.strided.scatter [tilespmem:s19], [sflag:$0x2], s21, s9, s31, $0x20;
	[tilespmem:$0x10100] =	vst v63  }
.LBB1_5:
0x20: {  	p1 =	slt.u32 s15, $0x2;
	s19 =	smov.u32 s17  }
0x21: {  	s20 =	smov.u32 s18;
	p2 =	sgt.s32 @!p1 s17, $0xC7;
	p3 =	sgt.s32 @!p1 s18, $0x280  }
0x22: {  	s21 =	sshra.s32 @!p1 s18, $0x1F;
	p2 =	por !p2, p1;
	p3 =	por !p3, p1  }
0x23: {  	s18 =	sand.u32 @!p1 s21, s18;
	s19 =	simm.s32 @p2 $0xC7;
	s20 =	simm.s32 @p3 $0x280  }
0x24: {  	p2 =	sgt.s32 @!p1 s16, $0x48;
	s18 =	ssub.s32 @!p1 s20, s18;
	s20 =	sshra.s32 @!p1 s17, $0x1F  }
0x25: {  	p2 =	por !p2, p1;
	s17 =	sand.u32 @!p1 s20, s17;
	s20 =	sadd.s32 @!p1 $0xFFFFFD80, s18  }
0x26: {  	s16 =	simm.s32 @p2 $0x48;
	s17 =	ssub.s32 @!p1 s19, s17;
	p2 =	sgt.s32 @!p1 s20, $0x7F  }
0x27: {  	s18 =	ssub.s32 @!p1 $0x300, s18;
	s19 =	sadd.s32 @!p1 $0xFFFFFF39, s17;
	p2 =	por !p2, p1  }
0x28: {  	s16 =	ssub.s32 @!p1 $0xC8, s16;
	s18 =	simm.s32 @!p2 $0x0;
	p2 =	sgt.s32 @!p1 s19, $0x0  }
0x29: {  	s17 =	ssub.s32 @!p1 $0xC8, s17;
	p2 =	por !p2, p1;
	s16 =	smul.u32 @!p1 s16, s18  }
0x2a: {  	s21 =	smov.u32 s14;
	s19 =	sadd.s32 $0x10, s13;
	s17 =	simm.s32 @!p2 $0x0  }
0x2b: {  	p2 =	sgt.s32 s19, $0xC7;
	s16 =	smul.u32 @!p1 s17, s16;
	s17 =	sadd.s32 $0x80, s14  }
0x2c: {  	s23 =	sadd.s32 $0x1, s15;
	s21 =	smov.u32 @p2 s17  }
0x2d: {  	p0 =	por !p0, !p0;
	s19 =	smov.u32 @p2 s1;
	p2 =	sgt.s32 s21, $0x2FF  }
0x2e: {  	s20 =	simm.s32 @!p1 $0x2;
	s21 =	simm.s32 @p2 $0x0;
	p2 =	sne.s32 s15, s8  }
.Ltmp1:
0x2f: {  	s18 =	smov.u32 s12;
	s12 =	smov.u32 s14;
	(pc) =	sbr.rel @!p2 .LBB1_6-.Ltmp1, $4  }
0x30: {  	s17 =	smov.u32 s11;
	s11 =	smov.u32 s13;
	s16 =	sand.u32 @!p1 $0x3FFFFFFF, s16  }
0x31: {  	s13 =	smov.u32 s19;
	_ =	swait.ge @!p1 [sflag:s20], s16;
	s22 =	ssub.s32 @!p1 $0x0, s16  }
0x32: {  	s16 =	smov.u32 s10;
	s10 =	smov.u32 s3;
	[sflag:s20] =	ssyncset.done @!p1 $0x0  }
0x33: {  	s15 =	smov.u32 s23;
	s14 =	smov.u32 s21;
	[sflag:s20] =	ssyncadd.s32 @!p1 s22  }
.LBB1_1:
0x34: {  	p1 =	sge.u32 s15, s5  }
0x35: {  	s19 =	sshll.u32 @!p1 s13, $0x8  }
0x36: {  	s20 =	sshll.u32 @!p1 s13, $0x7;
	s19 =	sand.u32 @!p1 $0xFFFFF800, s19  }
0x37: {  	s20 =	sand.u32 @!p1 $0x300, s20;
	s19 =	sor.u32 @!p1 s7, s19  }
0x38: {  	s19 =	sor.u32 @!p1 s20, s19  }
0x39: {  	s19 =	sshrl.u32 @!p1 s19, $0x8  }
0x3a: {  	s20 =	smulhi.u32 @!p1 $0x147AE15, s19;
	_ =	sdelay $0x1  }
0x3b: {  	s20 =	smul.u32 @!p1 $0xC8, s20  }
0x3c: {  	s31 =	sadd.s32 $0xFFFFFFFF, s15;
	s21 =	smul.u32 @!p1 $0x1900, s14  }
0x3d: {  	s22 =	sxor.u32 @!p1 $0xFFFFFFFF, s15;
	s19 =	ssub.s32 @!p1 s19, s20;
	s20 =	sshll.u32 @!p1 s13, $0x4  }
0x3e: {  	s22 =	sshll.u32 @!p1 s22, $0xE;
	s21 =	sadd.s32 @!p1 s6, s21;
	s20 =	sand.u32 @!p1 $0x10, s20  }
0x3f: {  	s22 =	sand.u32 @!p1 $0x4000, s22;
	s19 =	sshll.u32 @!p1 s19, $0x5;
	s20 =	sadd.s32 @!p1 s20, s21  }
0x40: {  	s21 =	simm.s32 @!p1 $0xC800;
	s19 =	sadd.s32 @!p1 s19, s20;
	s20 =	simm.s32 @!p1 $0x80  }
0x41: {  	[tilespmem:s22], [sflag:$0x1] =	stream.strided.gather @!p1 [hbm4b:s19+s20], $0x4000, s21, s20, $0x38;
	[tilespmem:$0x10100] =	vst v63  }
0x42: {  	p1 =	sge.u32 s31, s5  }
.Ltmp2:
0x43: {  	_ = 	snop;
	(pc) =	sbr.rel @p1 .LBB1_5-.Ltmp2, $1  }
0x44: {  	_ =	sdelay $0x3  }
0x45: {  	s19 =	simm.s32 $0x1  }
0x46: {  	_ =	swait.ge [sflag:s4], $0x4000;
	s19 =	simm.s32 @!p0 $0x0  }
0x47: {  	[sflag:s4] =	ssyncset.done $0x0;
	s20 =	sshll.u32 s19, $0xE  }
0x48: {  	[sflag:s4] =	ssyncadd.s32 $0xFFFFC000;
	s20 =	sor.u32 $0x40, s20  }
0x49: {  	s19 =	smul.u32 $0x10200, s19;
	v0 =	vld [tilespmem:s20+$0x30]  }
0x4a: {  	v1 =	vld [tilespmem:s20+$0xFFFFFFD0]  }
0x4b: {  	s19 =	sshrl.u32 s19, $0x2;
	v5 =	vld [tilespmem:s20+$0xFFFFFFE0]  }
0x4c: {  	v6 =	vld [tilespmem:s20+$0xFFFFFFF0];
	s22 =	sor.u32 $0x8000, s19  }
0x4d: {  	s31 =	sand.u32 $0x1, s15;
	v4 =	vld [tilespmem:s20+$0x0];
	s21 =	sadd.s32 $0x0, s22  }
0x4e: {  	v3 =	vld [tilespmem:s20+$0x10];
	s19 =	smul.u32 $0x10200, s31;
	[tilespmem:s21+$0x3870 ss:$0x81] =	vst.msk $0xffff, v0  }
0x4f: {  	v2 =	vld [tilespmem:s20+$0x20];
	[tilespmem:s21+$0x810 ss:$0x81] =	vst.msk $0xffff, v1  }
0x50: {  	s19 =	sshrl.u32 s19, $0x2;
	v1 =	vld [tilespmem:s20+$0xFFFFFFC0];
	[tilespmem:s21+$0x1020 ss:$0x81] =	vst.msk $0xffff, v5;
	s20 =	sadd.s32 $0x80, s20  }
0x51: {  	s23 =	simm.s32 $0x4;
	s24 =	simm.s32 $0x8;
	s19 =	sor.u32 $0x8000, s19;
	[tilespmem:s21+$0x1830 ss:$0x81] =	vst.msk $0xffff, v6;
	v0 =	vld [tilespmem:s20+$0x30]  }
.LBB1_3:
0x52: {  	p1 =	sne.s32 s24, $0x1FC;
	v5 =	vld [tilespmem:s20+$0xFFFFFFD0];
	[tilespmem:s21+$0x2040 ss:$0x81] =	vst.msk $0xffff, v4  }
0x53: {  	v6 =	vld [tilespmem:s20+$0xFFFFFFE0];
	[tilespmem:s21+$0x2850 ss:$0x81] =	vst.msk $0xffff, v3  }
0x54: {  	s25 =	sshra.s32 s23, $0x2;
	s23 =	smov.u32 s24;
	v7 =	vld [tilespmem:s20+$0xFFFFFFF0];
	[tilespmem:s21+$0x3060 ss:$0x81] =	vst.msk $0xffff, v2  }
.Ltmp3:
0x55: {  	v4 =	vld [tilespmem:s20+$0x0];
	[tilespmem:s21+$0x0 ss:$0x81] =	vst.msk $0xffff, v1;
	s21 =	sadd.s32 s25, s22;
	(pc) =	sbr.rel @p1 .LBB1_3-.Ltmp3, $4  }
0x56: {  	v3 =	vld [tilespmem:s20+$0x10];
	[tilespmem:s21+$0x3870 ss:$0x81] =	vst.msk $0xffff, v0  }
0x57: {  	[tilespmem:s21+$0x810 ss:$0x81] =	vst.msk $0xffff, v5;
	v2 =	vld [tilespmem:s20+$0x20]  }
0x58: {  	v1 =	vld [tilespmem:s20+$0xFFFFFFC0];
	[tilespmem:s21+$0x1020 ss:$0x81] =	vst.msk $0xffff, v6;
	s20 =	sadd.s32 $0x80, s20  }
0x59: {  	s24 =	sadd.s32 $0x4, s24;
	v0 =	vld [tilespmem:s20+$0x30];
	[tilespmem:s21+$0x1830 ss:$0x81] =	vst.msk $0xffff, v7  }
.Ltmp4:
0x5a: {  	_ = 	snop;
	(pc) =	sbr.rel .LBB1_4-.Ltmp4, $1  }
0x5b: {  	_ =	sdelay $0x3  }
.LBB1_6:
0x5c: {  	_ =	sfence.sel $0x180000  }
0x5d: {  	s2 =	simm.s32 $0x1;
	[bflag:$0x0] =	sbarrier.arrive $0xFFFF  }
0x5e: {  	s31 =	simm.s32 $0x2;
	[sflag:s2] =	ssyncpa.u1 $0x1  }
0x5f: {  	[sflag:s31] =	ssyncpa.u1 $0x1  }
0x60: {  	p0 =	sne.s32 s1, $0x0;
	_ =	strace $0x9000004A  }
0x61: {  	s0 =	sadd.s32 @!p0 $0x100000, s0;
	[bflag:$0x2] =	sbarrier.arrive $0xFFFF  }
0x62: {  	[sflag:s0] =	ssyncadd.tile.s32 @!p0 $0x1;
	_ =	shalt  }
.Lfunc_end1:
_tile_overlayer_lowered:
.L_overlay_start_2:
0x63: {  	(tag) =	ssettag $0x2  }
0x64: {  	s0 =	rddreg [dreg:$0x0];
	s2 =	stileid.u32  }
0x65: {  	s1 =	rddreg [dreg:$0x1];
	p0 =	sne.s32 s2, $0x0  }
0x66: {  	s3 =	rddreg [dreg:$0x2];
	[bflag:$0x3] =	sbarrier.arrive $0xFFFF;
	s2 =	simm.s32 @!p0 $0x1C01  }
0x67: {  	[timem:s3], [sflag:s2] =	dma.local @!p0 [hbm:s0], s1  }
0x68: {  	s0 =	simm.s32 @!p0 $0x1  }
0x69: {  	_ =	swait.ge @!p0 [sflag:s0], s1  }
0x6a: {  	s1 =	ssub.s32 @!p0 $0x0, s1;
	[sflag:s0] =	ssyncset.done @!p0 $0x0  }
0x6b: {  	[sflag:s0] =	ssyncadd.s32 @!p0 s1  }
0x6c: {  	[bflag:$0x3] =	sbarrier.arrive $0xFFFF  }
0x6d: {  	_ =	shalt  }

</sc_bundles>
